<compile_context>
chip_gen: v7x
topology: tpu7x:2x2x1
jax: 0.10.2.dev20260603
libtpu: 0.0.44.dev20260713+nightly
codegen_flags: <defaults>
</compile_context>

<pallas_src>
import functools

import jax
import jax.numpy as jnp
from jax import lax
from jax.experimental import pallas as pl
from jax.experimental.pallas import tpu as pltpu
from jax.experimental.pallas import tpu_sc as plsc

_N = 10000
_E = 320000
_D = 128

_NW = 32
_FPW = _D // _NW
_CHUNK = 3200
_NCHUNKS = _E // _CHUNK
_GROUPS = _CHUNK // 16
_BN = 1000



def _mm1_body(x_ref, w_ref, b_ref, a_out, bv_out):
    xb = x_ref[...]
    w = w_ref[...]
    wt = w[:_D]
    wb = w[_D:]
    dn = (((0,), (1,)), ((), ()))
    a = lax.dot_general(wt - wb, xb, dn, preferred_element_type=jnp.float32)
    a_out[...] = a + b_ref[...]
    bv_out[...] = lax.dot_general(wb, xb, dn, preferred_element_type=jnp.float32)


def _layer1_matmuls(x, w1, b1col):
    return pl.pallas_call(
        _mm1_body,
        out_shape=[
            jax.ShapeDtypeStruct((_D, _N), jnp.float32),
            jax.ShapeDtypeStruct((_D, _N), jnp.float32),
        ],
    )(x, w1, b1col)


def _mm2_body(a_ref, m_ref, w_ref, b_ref, a_out, bv_out):
    t = a_ref[...] + m_ref[...]
    h = jnp.maximum(jnp.where(jnp.isfinite(t), t, 0.0), 0.0)
    w = w_ref[...]
    wt = w[:_D]
    wb = w[_D:]
    dn = (((0,), (0,)), ((), ()))
    a2 = lax.dot_general(wt - wb, h, dn, preferred_element_type=jnp.float32)
    a_out[...] = a2 + b_ref[...]
    bv_out[...] = lax.dot_general(wb, h, dn, preferred_element_type=jnp.float32)


def _layer2_matmuls(a1t, m1t, w2, b2col):
    return pl.pallas_call(
        _mm2_body,
        out_shape=[
            jax.ShapeDtypeStruct((_D, _N), jnp.float32),
            jax.ShapeDtypeStruct((_D, _N), jnp.float32),
        ],
    )(a1t, m1t, w2, b2col)


def _fin_body(a_ref, m_ref, o_ref):
    t = a_ref[...] + m_ref[...]
    o = jnp.where(jnp.isfinite(t), t, 0.0)
    mx = jnp.max(o, axis=0, keepdims=True)
    lse = jnp.log(jnp.sum(jnp.exp(o - mx), axis=0, keepdims=True)) + mx
    o_ref[...] = (o - lse).T


def _finalize(a2t, m2t):
    return pl.pallas_call(
        _fin_body,
        out_shape=jax.ShapeDtypeStruct((_N, _D), jnp.float32),
    )(a2t, m2t)



def _sc_segment_max(bt_flat, src, dst):
    mesh = plsc.VectorSubcoreMesh(core_axis_name="c", subcore_axis_name="s", num_cores=2, num_subcores=16)

    @functools.partial(
        pl.kernel,
        out_type=jax.ShapeDtypeStruct((_D * _N,), jnp.float32),
        mesh=mesh,
        compiler_params=pltpu.CompilerParams(needs_layout_passes=False),
        scratch_types=[
            pltpu.VMEM((_FPW * _N,), jnp.float32),
            pltpu.VMEM((_FPW * _N,), jnp.float32),
            pltpu.VMEM((_N,), jnp.int32),
            pltpu.VMEM((_CHUNK,), jnp.int32),
            pltpu.VMEM((_CHUNK,), jnp.int32),
            pltpu.VMEM((_CHUNK,), jnp.int32),
            pltpu.VMEM((_CHUNK,), jnp.int32),
            pltpu.SemaphoreType.DMA,
            pltpu.SemaphoreType.DMA,
            pltpu.SemaphoreType.DMA,
            pltpu.SemaphoreType.DMA,
        ],
    )
    def k(bt_hbm, src_hbm, dst_hbm, out_hbm,
          b_v, m_v, scr_v, s0, s1, d0, d1, sem_s0, sem_s1, sem_d0, sem_d1):
        wid = lax.axis_index("s") * 2 + lax.axis_index("c")
        base = wid * (_FPW * _N)

        pltpu.sync_copy(bt_hbm.at[pl.ds(base, _FPW * _N)], b_v)

        neg = jnp.full((16,), -jnp.inf, jnp.float32)

        def init_body(i, c):
            m_v[pl.ds(i * 16, 16)] = neg
            return c
        lax.fori_loop(0, _FPW * _N // 16, init_body, 0)

        lane = lax.iota(jnp.int32, 16)

        def process(sbuf, dbuf):
            def group(j, c):
                s = sbuf[pl.ds(j * 16, 16)]
                d = dbuf[pl.ds(j * 16, 16)]
                vals = [plsc.load_gather(b_v, [s + (f * _N)]) for f in range(_FPW)]

                def cond(carry):
                    return carry[1] > 0

                def body(carry):
                    pend_i, _ = carry
                    pend = pend_i != 0
                    plsc.store_scatter(scr_v, [d], lane, mask=pend)
                    win = plsc.load_gather(scr_v, [d])
                    w = pend & (win == lane)
                    for f in range(_FPW):
                        df = d + (f * _N)
                        cur = plsc.load_gather(m_v, [df])
                        plsc.store_scatter(m_v, [df],
                                           jnp.maximum(cur, vals[f]), mask=w)
                    npend_i = jnp.where(w, jnp.zeros_like(pend_i), pend_i)
                    return npend_i, jnp.sum(npend_i)

                lax.while_loop(cond, body,
                               (jnp.ones((16,), jnp.int32), jnp.int32(16)))
                return c
            lax.fori_loop(0, _GROUPS, group, 0)

        def start(c, sb, db, ss, sd):
            pltpu.make_async_copy(src_hbm.at[pl.ds(c * _CHUNK, _CHUNK)], sb, ss).start()
            pltpu.make_async_copy(dst_hbm.at[pl.ds(c * _CHUNK, _CHUNK)], db, sd).start()

        def wait(sb, db, ss, sd):
            pltpu.make_async_copy(src_hbm.at[pl.ds(0, _CHUNK)], sb, ss).wait()
            pltpu.make_async_copy(dst_hbm.at[pl.ds(0, _CHUNK)], db, sd).wait()

        start(0, s0, d0, sem_s0, sem_d0)

        def pair(i, c):
            start(2 * i + 1, s1, d1, sem_s1, sem_d1)
            wait(s0, d0, sem_s0, sem_d0)
            process(s0, d0)

            @pl.when(i < _NCHUNKS // 2 - 1)
            def _():
                start(2 * i + 2, s0, d0, sem_s0, sem_d0)

            wait(s1, d1, sem_s1, sem_d1)
            process(s1, d1)
            return c
        lax.fori_loop(0, _NCHUNKS // 2, pair, 0)

        pltpu.sync_copy(m_v, out_hbm.at[pl.ds(base, _FPW * _N)])

    return jnp.reshape(k(jnp.reshape(bt_flat, (-1,)), src, dst), (_D, _N))



def kernel(x, edge_index, W1, b1, W2, b2):
    src = edge_index[0]
    dst = edge_index[1]
    b1col = jnp.reshape(b1, (_D, 1))
    b2col = jnp.reshape(b2, (_D, 1))

    a1t, b1t = _layer1_matmuls(x, W1, b1col)
    m1t = _sc_segment_max(b1t, src, dst)
    a2t, b2t = _layer2_matmuls(a1t, m1t, W2, b2col)
    m2t = _sc_segment_max(b2t, src, dst)
    return _finalize(a2t, m2t)

# --- scband reference (transcript-rebuilt; emitter-appended) ---
"""Pipeline reference for scband-edge-cnn-4698694222368 (READ-ONLY COPY).

The authoritative reference and input builder live on the scoring server;
editing this copy changes nothing except your own understanding.
"""

import jax, jax.numpy as jnp
import numpy as np

N = 10000
E = 320000
D_IN = 128
D_HID = 128
D_OUT = 128


def setup_inputs(seed: int = 0) -> dict:
    key = jax.random.key(seed)
    k1, k2, k3, k4, k5, k6 = jax.random.split(key, 6)
    x = jax.random.normal(k1, (N, D_IN), dtype=jnp.float32)
    edge_index = jax.random.randint(k2, (2, E), 0, N, dtype=jnp.int32)
    # EdgeConv MLP: Linear(2*in, out) applied to cat([x_i, x_j - x_i])
    W1 = jax.random.normal(k3, (2 * D_IN, D_HID), dtype=jnp.float32) * (1.0 / np.sqrt(2 * D_IN))
    b1 = jnp.zeros((D_HID,), dtype=jnp.float32)
    W2 = jax.random.normal(k4, (2 * D_HID, D_OUT), dtype=jnp.float32) * (1.0 / np.sqrt(2 * D_HID))
    b2 = jnp.zeros((D_OUT,), dtype=jnp.float32)
    return {"x": x, "edge_index": edge_index, "W1": W1, "b1": b1, "W2": W2, "b2": b2}


def _edge_conv(x, edge_index, W, b, num_nodes):
    src = edge_index[0]
    dst = edge_index[1]
    x_dst = jnp.take(x, dst, axis=0)  # x_i (center node)
    x_src = jnp.take(x, src, axis=0)  # x_j (neighbor)
    msg = jnp.concatenate([x_dst, x_src - x_dst], axis=-1)
    msg = msg @ W + b
    out = jax.ops.segment_max(msg, dst, num_segments=num_nodes)
    # nodes with no incoming edges: replace -inf with 0 (torch_scatter zero init)
    out = jnp.where(jnp.isfinite(out), out, 0.0)
    return out


def reference(x, edge_index, W1, b1, W2, b2):
    h = _edge_conv(x, edge_index, W1, b1, N)
    h = jax.nn.relu(h)
    o = _edge_conv(h, edge_index, W2, b2, N)
    return jax.nn.log_softmax(o, axis=1)

if __name__ == "__main__":
    import jax
    _d = setup_inputs()
    print(jax.jit(kernel)(*tuple(_d.values())))

</pallas_src>

<mosaic_0001>
#map = affine_map<(d0, d1) -> (0)>
module attributes {stable_mosaic.version = 14 : i64} {
  func.func @k(%arg0: i32, %arg1: i32, %arg2: memref<1280000xf32, #tpu.memory_space<hbm>>, %arg3: memref<320000xi32, #tpu.memory_space<hbm>>, %arg4: memref<320000xi32, #tpu.memory_space<hbm>>, %arg5: memref<1280000xf32, #tpu.memory_space<hbm>>, %arg6: memref<40000xf32, #tpu.memory_space<vmem>>, %arg7: memref<40000xf32, #tpu.memory_space<vmem>>, %arg8: memref<10000xi32, #tpu.memory_space<vmem>>, %arg9: memref<3200xi32, #tpu.memory_space<vmem>>, %arg10: memref<3200xi32, #tpu.memory_space<vmem>>, %arg11: memref<3200xi32, #tpu.memory_space<vmem>>, %arg12: memref<3200xi32, #tpu.memory_space<vmem>>, %arg13: memref<!tpu.dma_semaphore, #tpu.memory_space<semaphore_mem>>, %arg14: memref<!tpu.dma_semaphore, #tpu.memory_space<semaphore_mem>>, %arg15: memref<!tpu.dma_semaphore, #tpu.memory_space<semaphore_mem>>, %arg16: memref<!tpu.dma_semaphore, #tpu.memory_space<semaphore_mem>>) attributes {dimension_semantics = [#tpu.dimension_semantics<core_parallel>, #tpu.dimension_semantics<subcore_parallel>], iteration_bounds = array<i64: 2, 16>, scalar_prefetch = 0 : i64, scratch_operands = 11 : i64, tpu.core_type = #tpu.core_type<sc_vector_subcore>, window_params = [{transform_indices = #map}, {transform_indices = #map}, {transform_indices = #map}, {transform_indices = #map}]} {
    %mul3A = arith.constant 2 : i32
    %mul3A_0 = arith.muli %arg1, %mul3A : i32
    %add3A = arith.addi %mul3A_0, %arg0 : i32
    %mul3A_1 = arith.constant 40000 : i32
    %mul3A_2 = arith.muli %add3A, %mul3A_1 : i32
    "tpu.region"() ({
      %run_scoped3A = tpu.sem_alloc : memref<!tpu.dma_semaphore, #tpu.memory_space<semaphore_mem>>
      %dma_start3A_22 = tpu.memref_slice %arg2[%mul3A_2] : memref<1280000xf32, #tpu.memory_space<hbm>> -> memref<40000xf32, #tpu.memory_space<hbm>>
      %dma_start3A_23 = tpu.memref_slice %arg2[%mul3A_2] : memref<1280000xf32, #tpu.memory_space<hbm>> -> memref<40000xf32, #tpu.memory_space<hbm>>
      tpu.enqueue_dma source(%dma_start3A_23 : memref<40000xf32, #tpu.memory_space<hbm>>) target(%arg6 : memref<40000xf32, #tpu.memory_space<vmem>>) target_semaphore(%run_scoped3A : memref<!tpu.dma_semaphore, #tpu.memory_space<semaphore_mem>>)
      %dma_wait3A = tpu.memref_slice %arg2[%mul3A_2] : memref<1280000xf32, #tpu.memory_space<hbm>> -> memref<40000xf32, #tpu.memory_space<hbm>>
      %dma_wait3A_24 = tpu.memref_slice %arg2[%mul3A_2] : memref<1280000xf32, #tpu.memory_space<hbm>> -> memref<40000xf32, #tpu.memory_space<hbm>>
      tpu.wait_dma2 semaphore(%run_scoped3A : memref<!tpu.dma_semaphore, #tpu.memory_space<semaphore_mem>>) src(%dma_wait3A_24 : memref<40000xf32, #tpu.memory_space<hbm>>) dst(%arg6 : memref<40000xf32, #tpu.memory_space<vmem>>)
      tpu.yield
    }) : () -> ()
    %broadcast_in_dim3A = arith.constant 0xFF800000 : f32
    %broadcast_in_dim3A_3 = vector.broadcast %broadcast_in_dim3A : f32 to vector<16xf32>
    %scan3A = arith.constant 0 : i32
    %scan3A_4 = arith.constant 0 : i32
    %scan3A_5 = arith.constant 2500 : i32
    %scan3A_6 = arith.addi %scan3A_4, %scan3A_5 : i32
    %scan3A_7 = arith.constant 1 : i32
    scf.for %scan3A_22 = %scan3A_4 to %scan3A_6 step %scan3A_7  : i32 {
      %mul3A_23 = arith.constant 16 : i32
      %mul3A_24 = arith.muli %scan3A_22, %mul3A_23 : i32
      %swap3A = arith.index_cast %mul3A_24 : i32 to index
      %swap3A_25 = tpu.vector_load %arg7[%swap3A] {strides = array<i32>} : memref<40000xf32, #tpu.memory_space<vmem>>, vector<16xf32>,
      tpu.vector_store %arg7[%swap3A], %broadcast_in_dim3A_3 {strides = array<i32>} : memref<40000xf32, #tpu.memory_space<vmem>>, vector<16xf32>,
    }
    %scan3A_8 = arith.constant 2500 : i32
    %iota3A = tpu.iota {dimensions = array<i32: 0>} : vector<16xi32>
    %dma_start3A = arith.constant 0 : i32
    %dma_start3A_9 = tpu.memref_slice %arg3[%dma_start3A] : memref<320000xi32, #tpu.memory_space<hbm>> -> memref<3200xi32, #tpu.memory_space<hbm>>
    %dma_start3A_10 = arith.constant 0 : i32
    %dma_start3A_11 = tpu.memref_slice %arg3[%dma_start3A_10] : memref<320000xi32, #tpu.memory_space<hbm>> -> memref<3200xi32, #tpu.memory_space<hbm>>
    tpu.enqueue_dma source(%dma_start3A_11 : memref<3200xi32, #tpu.memory_space<hbm>>) target(%arg9 : memref<3200xi32, #tpu.memory_space<vmem>>) target_semaphore(%arg13 : memref<!tpu.dma_semaphore, #tpu.memory_space<semaphore_mem>>)
    %dma_start3A_12 = arith.constant 0 : i32
    %dma_start3A_13 = tpu.memref_slice %arg4[%dma_start3A_12] : memref<320000xi32, #tpu.memory_space<hbm>> -> memref<3200xi32, #tpu.memory_space<hbm>>
    %dma_start3A_14 = arith.constant 0 : i32
    %dma_start3A_15 = tpu.memref_slice %arg4[%dma_start3A_14] : memref<320000xi32, #tpu.memory_space<hbm>> -> memref<3200xi32, #tpu.memory_space<hbm>>
    tpu.enqueue_dma source(%dma_start3A_15 : memref<3200xi32, #tpu.memory_space<hbm>>) target(%arg11 : memref<3200xi32, #tpu.memory_space<vmem>>) target_semaphore(%arg15 : memref<!tpu.dma_semaphore, #tpu.memory_space<semaphore_mem>>)
    %scan3A_16 = arith.constant 0 : i32
    %scan3A_17 = arith.constant 0 : i32
    %scan3A_18 = arith.constant 50 : i32
    %scan3A_19 = arith.addi %scan3A_17, %scan3A_18 : i32
    %scan3A_20 = arith.constant 1 : i32
    scf.for %scan3A_22 = %scan3A_17 to %scan3A_19 step %scan3A_20  : i32 {
      %mul3A_23 = arith.constant 2 : i32
      %mul3A_24 = arith.muli %mul3A_23, %scan3A_22 : i32
      %add3A_25 = arith.constant 1 : i32
      %add3A_26 = arith.addi %mul3A_24, %add3A_25 : i32
      %mul3A_27 = arith.constant 3200 : i32
      %mul3A_28 = arith.muli %add3A_26, %mul3A_27 : i32
      %dma_start3A_29 = tpu.memref_slice %arg3[%mul3A_28] : memref<320000xi32, #tpu.memory_space<hbm>> -> memref<3200xi32, #tpu.memory_space<hbm>>
      %dma_start3A_30 = tpu.memref_slice %arg3[%mul3A_28] : memref<320000xi32, #tpu.memory_space<hbm>> -> memref<3200xi32, #tpu.memory_space<hbm>>
      tpu.enqueue_dma source(%dma_start3A_30 : memref<3200xi32, #tpu.memory_space<hbm>>) target(%arg10 : memref<3200xi32, #tpu.memory_space<vmem>>) target_semaphore(%arg14 : memref<!tpu.dma_semaphore, #tpu.memory_space<semaphore_mem>>)
      %mul3A_31 = arith.constant 3200 : i32
      %mul3A_32 = arith.muli %add3A_26, %mul3A_31 : i32
      %dma_start3A_33 = tpu.memref_slice %arg4[%mul3A_32] : memref<320000xi32, #tpu.memory_space<hbm>> -> memref<3200xi32, #tpu.memory_space<hbm>>
      %dma_start3A_34 = tpu.memref_slice %arg4[%mul3A_32] : memref<320000xi32, #tpu.memory_space<hbm>> -> memref<3200xi32, #tpu.memory_space<hbm>>
      tpu.enqueue_dma source(%dma_start3A_34 : memref<3200xi32, #tpu.memory_space<hbm>>) target(%arg12 : memref<3200xi32, #tpu.memory_space<vmem>>) target_semaphore(%arg16 : memref<!tpu.dma_semaphore, #tpu.memory_space<semaphore_mem>>)
      %dma_wait3A = arith.constant 0 : i32
      %dma_wait3A_35 = tpu.memref_slice %arg3[%dma_wait3A] : memref<320000xi32, #tpu.memory_space<hbm>> -> memref<3200xi32, #tpu.memory_space<hbm>>
      %dma_wait3A_36 = arith.constant 0 : i32
      %dma_wait3A_37 = tpu.memref_slice %arg3[%dma_wait3A_36] : memref<320000xi32, #tpu.memory_space<hbm>> -> memref<3200xi32, #tpu.memory_space<hbm>>
      tpu.wait_dma2 semaphore(%arg13 : memref<!tpu.dma_semaphore, #tpu.memory_space<semaphore_mem>>) src(%dma_wait3A_37 : memref<3200xi32, #tpu.memory_space<hbm>>) dst(%arg9 : memref<3200xi32, #tpu.memory_space<vmem>>)
      %dma_wait3A_38 = arith.constant 0 : i32
      %dma_wait3A_39 = tpu.memref_slice %arg4[%dma_wait3A_38] : memref<320000xi32, #tpu.memory_space<hbm>> -> memref<3200xi32, #tpu.memory_space<hbm>>
      %dma_wait3A_40 = arith.constant 0 : i32
      %dma_wait3A_41 = tpu.memref_slice %arg4[%dma_wait3A_40] : memref<320000xi32, #tpu.memory_space<hbm>> -> memref<3200xi32, #tpu.memory_space<hbm>>
      tpu.wait_dma2 semaphore(%arg15 : memref<!tpu.dma_semaphore, #tpu.memory_space<semaphore_mem>>) src(%dma_wait3A_41 : memref<3200xi32, #tpu.memory_space<hbm>>) dst(%arg11 : memref<3200xi32, #tpu.memory_space<vmem>>)
      %scan3A_42 = arith.constant 0 : i32
      %scan3A_43 = arith.constant 0 : i32
      %scan3A_44 = arith.constant 200 : i32
      %scan3A_45 = arith.addi %scan3A_43, %scan3A_44 : i32
      %scan3A_46 = arith.constant 1 : i32
      scf.for %scan3A_64 = %scan3A_43 to %scan3A_45 step %scan3A_46  : i32 {
        %mul3A_65 = arith.constant 16 : i32
        %mul3A_66 = arith.muli %scan3A_64, %mul3A_65 : i32
        %get3A = arith.index_cast %mul3A_66 : i32 to index
        %get3A_67 = tpu.vector_load %arg9[%get3A] {strides = array<i32>} : memref<3200xi32, #tpu.memory_space<vmem>>, vector<16xi32>,
        %mul3A_68 = arith.constant 16 : i32
        %mul3A_69 = arith.muli %scan3A_64, %mul3A_68 : i32
        %get3A_70 = arith.index_cast %mul3A_69 : i32 to index
        %get3A_71 = tpu.vector_load %arg11[%get3A_70] {strides = array<i32>} : memref<3200xi32, #tpu.memory_space<vmem>>, vector<16xi32>,
        %add3A_72 = arith.constant 0 : i32
        %add3A_73 = vector.broadcast %add3A_72 : i32 to vector<16xi32>
        %add3A_74 = arith.addi %get3A_67, %add3A_73 : vector<16xi32>
        %gather3A = tpu.vector_load_idx %arg6[%add3A_74] : memref<40000xf32, #tpu.memory_space<vmem>>[vector<16xi32>], vector<16xf32>,
        %add3A_75 = arith.constant 10000 : i32
        %add3A_76 = vector.broadcast %add3A_75 : i32 to vector<16xi32>
        %add3A_77 = arith.addi %get3A_67, %add3A_76 : vector<16xi32>
        %gather3A_78 = tpu.vector_load_idx %arg6[%add3A_77] : memref<40000xf32, #tpu.memory_space<vmem>>[vector<16xi32>], vector<16xf32>,
        %add3A_79 = arith.constant 20000 : i32
        %add3A_80 = vector.broadcast %add3A_79 : i32 to vector<16xi32>
        %add3A_81 = arith.addi %get3A_67, %add3A_80 : vector<16xi32>
        %gather3A_82 = tpu.vector_load_idx %arg6[%add3A_81] : memref<40000xf32, #tpu.memory_space<vmem>>[vector<16xi32>], vector<16xf32>,
        %add3A_83 = arith.constant 30000 : i32
        %add3A_84 = vector.broadcast %add3A_83 : i32 to vector<16xi32>
        %add3A_85 = arith.addi %get3A_67, %add3A_84 : vector<16xi32>
        %gather3A_86 = tpu.vector_load_idx %arg6[%add3A_85] : memref<40000xf32, #tpu.memory_space<vmem>>[vector<16xi32>], vector<16xf32>,
        %broadcast_in_dim3A_87 = arith.constant 1 : i32
        %broadcast_in_dim3A_88 = vector.broadcast %broadcast_in_dim3A_87 : i32 to vector<16xi32>
        %while3A = arith.constant 16 : i32
        %while3A_89:2 = scf.while (%while3A_90 = %broadcast_in_dim3A_88, %while3A_91 = %while3A) : (vector<16xi32>, i32) -> (vector<16xi32>, i32) {
          %gt3A = arith.constant 0 : i32
          %gt3A_92 = arith.cmpi sgt, %while3A_91, %gt3A : i32
          scf.condition(%gt3A_92) %while3A_90, %while3A_91 : vector<16xi32>, i32
        } do {
        ^bb0(%while3A_90: vector<16xi32>, %while3A_91: i32):
          %ne3A = arith.constant 0 : i32
          %ne3A_92 = vector.broadcast %ne3A : i32 to vector<16xi32>
          %ne3A_93 = arith.cmpi ne, %while3A_90, %ne3A_92 : vector<16xi32>
          tpu.vector_store_idx %arg8[%get3A_71], %iota3A masked %ne3A_93 : memref<10000xi32, #tpu.memory_space<vmem>>[vector<16xi32>], vector<16xi32>, vector<16xi1>
          %gather3A_94 = tpu.vector_load_idx %arg8[%get3A_71] : memref<10000xi32, #tpu.memory_space<vmem>>[vector<16xi32>], vector<16xi32>,
          %eq3A = arith.cmpi eq, %gather3A_94, %iota3A : vector<16xi32>
          %and3A = arith.andi %ne3A_93, %eq3A : vector<16xi1>
          %add3A_95 = arith.constant 0 : i32
          %add3A_96 = vector.broadcast %add3A_95 : i32 to vector<16xi32>
          %add3A_97 = arith.addi %get3A_71, %add3A_96 : vector<16xi32>
          %gather3A_98 = tpu.vector_load_idx %arg7[%add3A_97] : memref<40000xf32, #tpu.memory_space<vmem>>[vector<16xi32>], vector<16xf32>,
          %max3A = arith.maximumf %gather3A_98, %gather3A : vector<16xf32>
          tpu.vector_store_idx %arg7[%add3A_97], %max3A masked %and3A : memref<40000xf32, #tpu.memory_space<vmem>>[vector<16xi32>], vector<16xf32>, vector<16xi1>
          %add3A_99 = arith.constant 10000 : i32
          %add3A_100 = vector.broadcast %add3A_99 : i32 to vector<16xi32>
          %add3A_101 = arith.addi %get3A_71, %add3A_100 : vector<16xi32>
          %gather3A_102 = tpu.vector_load_idx %arg7[%add3A_101] : memref<40000xf32, #tpu.memory_space<vmem>>[vector<16xi32>], vector<16xf32>,
          %max3A_103 = arith.maximumf %gather3A_102, %gather3A_78 : vector<16xf32>
          tpu.vector_store_idx %arg7[%add3A_101], %max3A_103 masked %and3A : memref<40000xf32, #tpu.memory_space<vmem>>[vector<16xi32>], vector<16xf32>, vector<16xi1>
          %add3A_104 = arith.constant 20000 : i32
          %add3A_105 = vector.broadcast %add3A_104 : i32 to vector<16xi32>
          %add3A_106 = arith.addi %get3A_71, %add3A_105 : vector<16xi32>
          %gather3A_107 = tpu.vector_load_idx %arg7[%add3A_106] : memref<40000xf32, #tpu.memory_space<vmem>>[vector<16xi32>], vector<16xf32>,
          %max3A_108 = arith.maximumf %gather3A_107, %gather3A_82 : vector<16xf32>
          tpu.vector_store_idx %arg7[%add3A_106], %max3A_108 masked %and3A : memref<40000xf32, #tpu.memory_space<vmem>>[vector<16xi32>], vector<16xf32>, vector<16xi1>
          %add3A_109 = arith.constant 30000 : i32
          %add3A_110 = vector.broadcast %add3A_109 : i32 to vector<16xi32>
          %add3A_111 = arith.addi %get3A_71, %add3A_110 : vector<16xi32>
          %gather3A_112 = tpu.vector_load_idx %arg7[%add3A_111] : memref<40000xf32, #tpu.memory_space<vmem>>[vector<16xi32>], vector<16xf32>,
          %max3A_113 = arith.maximumf %gather3A_112, %gather3A_86 : vector<16xf32>
          tpu.vector_store_idx %arg7[%add3A_111], %max3A_113 masked %and3A : memref<40000xf32, #tpu.memory_space<vmem>>[vector<16xi32>], vector<16xf32>, vector<16xi1>
          %broadcast_in_dim3A_114 = arith.constant 0 : i32
          %broadcast_in_dim3A_115 = vector.broadcast %broadcast_in_dim3A_114 : i32 to vector<16xi32>
          %select_n3A = arith.select %and3A, %broadcast_in_dim3A_115, %while3A_90 : vector<16xi1>, vector<16xi32>
          %reduce_sum3A = arith.constant true
          %reduce_sum3A_116 = vector.broadcast %reduce_sum3A : i1 to vector<16xi1>
          %reduce_sum3A_117 = tpu.scan <sum>, %select_n3A masked %reduce_sum3A_116 : vector<16xi32>, vector<16xi1> -> vector<16xi32>
          %reduce_sum3A_118 = vector.extract %reduce_sum3A_117[15] : i32 from vector<16xi32>
          scf.yield %select_n3A, %reduce_sum3A_118 : vector<16xi32>, i32
        }
      }
      %scan3A_47 = arith.constant 200 : i32
      %lt3A = arith.constant 49 : i32
      %lt3A_48 = arith.cmpi slt, %scan3A_22, %lt3A : i32
      %convert_element_type3A = arith.extui %lt3A_48 : i1 to i32
      %cond3A = arith.constant 0 : i32
      %cond3A_49 = arith.cmpi ne, %convert_element_type3A, %cond3A : i32
      scf.if %cond3A_49 {
        %mul3A_64 = arith.constant 2 : i32
        %mul3A_65 = arith.muli %mul3A_64, %scan3A_22 : i32
        %add3A_66 = arith.constant 2 : i32
        %add3A_67 = arith.addi %mul3A_65, %add3A_66 : i32
        %mul3A_68 = arith.constant 3200 : i32
        %mul3A_69 = arith.muli %add3A_67, %mul3A_68 : i32
        %dma_start3A_70 = tpu.memref_slice %arg3[%mul3A_69] : memref<320000xi32, #tpu.memory_space<hbm>> -> memref<3200xi32, #tpu.memory_space<hbm>>
        %dma_start3A_71 = tpu.memref_slice %arg3[%mul3A_69] : memref<320000xi32, #tpu.memory_space<hbm>> -> memref<3200xi32, #tpu.memory_space<hbm>>
        tpu.enqueue_dma source(%dma_start3A_71 : memref<3200xi32, #tpu.memory_space<hbm>>) target(%arg9 : memref<3200xi32, #tpu.memory_space<vmem>>) target_semaphore(%arg13 : memref<!tpu.dma_semaphore, #tpu.memory_space<semaphore_mem>>)
        %mul3A_72 = arith.constant 3200 : i32
        %mul3A_73 = arith.muli %add3A_67, %mul3A_72 : i32
        %dma_start3A_74 = tpu.memref_slice %arg4[%mul3A_73] : memref<320000xi32, #tpu.memory_space<hbm>> -> memref<3200xi32, #tpu.memory_space<hbm>>
        %dma_start3A_75 = tpu.memref_slice %arg4[%mul3A_73] : memref<320000xi32, #tpu.memory_space<hbm>> -> memref<3200xi32, #tpu.memory_space<hbm>>
        tpu.enqueue_dma source(%dma_start3A_75 : memref<3200xi32, #tpu.memory_space<hbm>>) target(%arg11 : memref<3200xi32, #tpu.memory_space<vmem>>) target_semaphore(%arg15 : memref<!tpu.dma_semaphore, #tpu.memory_space<semaphore_mem>>)
      } else {
      }
      %dma_wait3A_50 = arith.constant 0 : i32
      %dma_wait3A_51 = tpu.memref_slice %arg3[%dma_wait3A_50] : memref<320000xi32, #tpu.memory_space<hbm>> -> memref<3200xi32, #tpu.memory_space<hbm>>
      %dma_wait3A_52 = arith.constant 0 : i32
      %dma_wait3A_53 = tpu.memref_slice %arg3[%dma_wait3A_52] : memref<320000xi32, #tpu.memory_space<hbm>> -> memref<3200xi32, #tpu.memory_space<hbm>>
      tpu.wait_dma2 semaphore(%arg14 : memref<!tpu.dma_semaphore, #tpu.memory_space<semaphore_mem>>) src(%dma_wait3A_53 : memref<3200xi32, #tpu.memory_space<hbm>>) dst(%arg10 : memref<3200xi32, #tpu.memory_space<vmem>>)
      %dma_wait3A_54 = arith.constant 0 : i32
      %dma_wait3A_55 = tpu.memref_slice %arg4[%dma_wait3A_54] : memref<320000xi32, #tpu.memory_space<hbm>> -> memref<3200xi32, #tpu.memory_space<hbm>>
      %dma_wait3A_56 = arith.constant 0 : i32
      %dma_wait3A_57 = tpu.memref_slice %arg4[%dma_wait3A_56] : memref<320000xi32, #tpu.memory_space<hbm>> -> memref<3200xi32, #tpu.memory_space<hbm>>
      tpu.wait_dma2 semaphore(%arg16 : memref<!tpu.dma_semaphore, #tpu.memory_space<semaphore_mem>>) src(%dma_wait3A_57 : memref<3200xi32, #tpu.memory_space<hbm>>) dst(%arg12 : memref<3200xi32, #tpu.memory_space<vmem>>)
      %scan3A_58 = arith.constant 0 : i32
      %scan3A_59 = arith.constant 0 : i32
      %scan3A_60 = arith.constant 200 : i32
      %scan3A_61 = arith.addi %scan3A_59, %scan3A_60 : i32
      %scan3A_62 = arith.constant 1 : i32
      scf.for %scan3A_64 = %scan3A_59 to %scan3A_61 step %scan3A_62  : i32 {
        %mul3A_65 = arith.constant 16 : i32
        %mul3A_66 = arith.muli %scan3A_64, %mul3A_65 : i32
        %get3A = arith.index_cast %mul3A_66 : i32 to index
        %get3A_67 = tpu.vector_load %arg10[%get3A] {strides = array<i32>} : memref<3200xi32, #tpu.memory_space<vmem>>, vector<16xi32>,
        %mul3A_68 = arith.constant 16 : i32
        %mul3A_69 = arith.muli %scan3A_64, %mul3A_68 : i32
        %get3A_70 = arith.index_cast %mul3A_69 : i32 to index
        %get3A_71 = tpu.vector_load %arg12[%get3A_70] {strides = array<i32>} : memref<3200xi32, #tpu.memory_space<vmem>>, vector<16xi32>,
        %add3A_72 = arith.constant 0 : i32
        %add3A_73 = vector.broadcast %add3A_72 : i32 to vector<16xi32>
        %add3A_74 = arith.addi %get3A_67, %add3A_73 : vector<16xi32>
        %gather3A = tpu.vector_load_idx %arg6[%add3A_74] : memref<40000xf32, #tpu.memory_space<vmem>>[vector<16xi32>], vector<16xf32>,
        %add3A_75 = arith.constant 10000 : i32
        %add3A_76 = vector.broadcast %add3A_75 : i32 to vector<16xi32>
        %add3A_77 = arith.addi %get3A_67, %add3A_76 : vector<16xi32>
        %gather3A_78 = tpu.vector_load_idx %arg6[%add3A_77] : memref<40000xf32, #tpu.memory_space<vmem>>[vector<16xi32>], vector<16xf32>,
        %add3A_79 = arith.constant 20000 : i32
        %add3A_80 = vector.broadcast %add3A_79 : i32 to vector<16xi32>
        %add3A_81 = arith.addi %get3A_67, %add3A_80 : vector<16xi32>
        %gather3A_82 = tpu.vector_load_idx %arg6[%add3A_81] : memref<40000xf32, #tpu.memory_space<vmem>>[vector<16xi32>], vector<16xf32>,
        %add3A_83 = arith.constant 30000 : i32
        %add3A_84 = vector.broadcast %add3A_83 : i32 to vector<16xi32>
        %add3A_85 = arith.addi %get3A_67, %add3A_84 : vector<16xi32>
        %gather3A_86 = tpu.vector_load_idx %arg6[%add3A_85] : memref<40000xf32, #tpu.memory_space<vmem>>[vector<16xi32>], vector<16xf32>,
        %broadcast_in_dim3A_87 = arith.constant 1 : i32
        %broadcast_in_dim3A_88 = vector.broadcast %broadcast_in_dim3A_87 : i32 to vector<16xi32>
        %while3A = arith.constant 16 : i32
        %while3A_89:2 = scf.while (%while3A_90 = %broadcast_in_dim3A_88, %while3A_91 = %while3A) : (vector<16xi32>, i32) -> (vector<16xi32>, i32) {
          %gt3A = arith.constant 0 : i32
          %gt3A_92 = arith.cmpi sgt, %while3A_91, %gt3A : i32
          scf.condition(%gt3A_92) %while3A_90, %while3A_91 : vector<16xi32>, i32
        } do {
        ^bb0(%while3A_90: vector<16xi32>, %while3A_91: i32):
          %ne3A = arith.constant 0 : i32
          %ne3A_92 = vector.broadcast %ne3A : i32 to vector<16xi32>
          %ne3A_93 = arith.cmpi ne, %while3A_90, %ne3A_92 : vector<16xi32>
          tpu.vector_store_idx %arg8[%get3A_71], %iota3A masked %ne3A_93 : memref<10000xi32, #tpu.memory_space<vmem>>[vector<16xi32>], vector<16xi32>, vector<16xi1>
          %gather3A_94 = tpu.vector_load_idx %arg8[%get3A_71] : memref<10000xi32, #tpu.memory_space<vmem>>[vector<16xi32>], vector<16xi32>,
          %eq3A = arith.cmpi eq, %gather3A_94, %iota3A : vector<16xi32>
          %and3A = arith.andi %ne3A_93, %eq3A : vector<16xi1>
          %add3A_95 = arith.constant 0 : i32
          %add3A_96 = vector.broadcast %add3A_95 : i32 to vector<16xi32>
          %add3A_97 = arith.addi %get3A_71, %add3A_96 : vector<16xi32>
          %gather3A_98 = tpu.vector_load_idx %arg7[%add3A_97] : memref<40000xf32, #tpu.memory_space<vmem>>[vector<16xi32>], vector<16xf32>,
          %max3A = arith.maximumf %gather3A_98, %gather3A : vector<16xf32>
          tpu.vector_store_idx %arg7[%add3A_97], %max3A masked %and3A : memref<40000xf32, #tpu.memory_space<vmem>>[vector<16xi32>], vector<16xf32>, vector<16xi1>
          %add3A_99 = arith.constant 10000 : i32
          %add3A_100 = vector.broadcast %add3A_99 : i32 to vector<16xi32>
          %add3A_101 = arith.addi %get3A_71, %add3A_100 : vector<16xi32>
          %gather3A_102 = tpu.vector_load_idx %arg7[%add3A_101] : memref<40000xf32, #tpu.memory_space<vmem>>[vector<16xi32>], vector<16xf32>,
          %max3A_103 = arith.maximumf %gather3A_102, %gather3A_78 : vector<16xf32>
          tpu.vector_store_idx %arg7[%add3A_101], %max3A_103 masked %and3A : memref<40000xf32, #tpu.memory_space<vmem>>[vector<16xi32>], vector<16xf32>, vector<16xi1>
          %add3A_104 = arith.constant 20000 : i32
          %add3A_105 = vector.broadcast %add3A_104 : i32 to vector<16xi32>
          %add3A_106 = arith.addi %get3A_71, %add3A_105 : vector<16xi32>
          %gather3A_107 = tpu.vector_load_idx %arg7[%add3A_106] : memref<40000xf32, #tpu.memory_space<vmem>>[vector<16xi32>], vector<16xf32>,
          %max3A_108 = arith.maximumf %gather3A_107, %gather3A_82 : vector<16xf32>
          tpu.vector_store_idx %arg7[%add3A_106], %max3A_108 masked %and3A : memref<40000xf32, #tpu.memory_space<vmem>>[vector<16xi32>], vector<16xf32>, vector<16xi1>
          %add3A_109 = arith.constant 30000 : i32
          %add3A_110 = vector.broadcast %add3A_109 : i32 to vector<16xi32>
          %add3A_111 = arith.addi %get3A_71, %add3A_110 : vector<16xi32>
          %gather3A_112 = tpu.vector_load_idx %arg7[%add3A_111] : memref<40000xf32, #tpu.memory_space<vmem>>[vector<16xi32>], vector<16xf32>,
          %max3A_113 = arith.maximumf %gather3A_112, %gather3A_86 : vector<16xf32>
          tpu.vector_store_idx %arg7[%add3A_111], %max3A_113 masked %and3A : memref<40000xf32, #tpu.memory_space<vmem>>[vector<16xi32>], vector<16xf32>, vector<16xi1>
          %broadcast_in_dim3A_114 = arith.constant 0 : i32
          %broadcast_in_dim3A_115 = vector.broadcast %broadcast_in_dim3A_114 : i32 to vector<16xi32>
          %select_n3A = arith.select %and3A, %broadcast_in_dim3A_115, %while3A_90 : vector<16xi1>, vector<16xi32>
          %reduce_sum3A = arith.constant true
          %reduce_sum3A_116 = vector.broadcast %reduce_sum3A : i1 to vector<16xi1>
          %reduce_sum3A_117 = tpu.scan <sum>, %select_n3A masked %reduce_sum3A_116 : vector<16xi32>, vector<16xi1> -> vector<16xi32>
          %reduce_sum3A_118 = vector.extract %reduce_sum3A_117[15] : i32 from vector<16xi32>
          scf.yield %select_n3A, %reduce_sum3A_118 : vector<16xi32>, i32
        }
      }
      %scan3A_63 = arith.constant 200 : i32
    }
    %scan3A_21 = arith.constant 50 : i32
    "tpu.region"() ({
      %run_scoped3A = tpu.sem_alloc : memref<!tpu.dma_semaphore, #tpu.memory_space<semaphore_mem>>
      %dma_start3A_22 = tpu.memref_slice %arg5[%mul3A_2] : memref<1280000xf32, #tpu.memory_space<hbm>> -> memref<40000xf32, #tpu.memory_space<hbm>>
      %dma_start3A_23 = tpu.memref_slice %arg5[%mul3A_2] : memref<1280000xf32, #tpu.memory_space<hbm>> -> memref<40000xf32, #tpu.memory_space<hbm>>
      tpu.enqueue_dma source(%arg7 : memref<40000xf32, #tpu.memory_space<vmem>>) target(%dma_start3A_23 : memref<40000xf32, #tpu.memory_space<hbm>>) target_semaphore(%run_scoped3A : memref<!tpu.dma_semaphore, #tpu.memory_space<semaphore_mem>>)
      %dma_wait3A = tpu.memref_slice %arg5[%mul3A_2] : memref<1280000xf32, #tpu.memory_space<hbm>> -> memref<40000xf32, #tpu.memory_space<hbm>>
      %dma_wait3A_24 = tpu.memref_slice %arg5[%mul3A_2] : memref<1280000xf32, #tpu.memory_space<hbm>> -> memref<40000xf32, #tpu.memory_space<hbm>>
      tpu.wait_dma2 semaphore(%run_scoped3A : memref<!tpu.dma_semaphore, #tpu.memory_space<semaphore_mem>>) src(%arg7 : memref<40000xf32, #tpu.memory_space<vmem>>) dst(%dma_wait3A_24 : memref<40000xf32, #tpu.memory_space<hbm>>)
      tpu.yield
    }) : () -> ()
    return
  }
}

#map = affine_map<(d0, d1) -> (0)>
module attributes {stable_mosaic.version = 14 : i64} {
  func.func @k(%arg0: i32, %arg1: i32, %arg2: memref<1280000xf32, #tpu.memory_space<hbm>>, %arg3: memref<320000xi32, #tpu.memory_space<hbm>>, %arg4: memref<320000xi32, #tpu.memory_space<hbm>>, %arg5: memref<1280000xf32, #tpu.memory_space<hbm>>, %arg6: memref<40000xf32, #tpu.memory_space<vmem>>, %arg7: memref<40000xf32, #tpu.memory_space<vmem>>, %arg8: memref<10000xi32, #tpu.memory_space<vmem>>, %arg9: memref<3200xi32, #tpu.memory_space<vmem>>, %arg10: memref<3200xi32, #tpu.memory_space<vmem>>, %arg11: memref<3200xi32, #tpu.memory_space<vmem>>, %arg12: memref<3200xi32, #tpu.memory_space<vmem>>, %arg13: memref<!tpu.dma_semaphore, #tpu.memory_space<semaphore_mem>>, %arg14: memref<!tpu.dma_semaphore, #tpu.memory_space<semaphore_mem>>, %arg15: memref<!tpu.dma_semaphore, #tpu.memory_space<semaphore_mem>>, %arg16: memref<!tpu.dma_semaphore, #tpu.memory_space<semaphore_mem>>) attributes {dimension_semantics = [#tpu.dimension_semantics<core_parallel>, #tpu.dimension_semantics<subcore_parallel>], iteration_bounds = array<i64: 2, 16>, scalar_prefetch = 0 : i64, scratch_operands = 11 : i64, tpu.core_type = #tpu.core_type<sc_vector_subcore>, window_params = [{transform_indices = #map}, {transform_indices = #map}, {transform_indices = #map}, {transform_indices = #map}]} {
    %mul3A = arith.constant 2 : i32
    %mul3A_0 = arith.muli %arg1, %mul3A : i32
    %add3A = arith.addi %mul3A_0, %arg0 : i32
    %mul3A_1 = arith.constant 40000 : i32
    %mul3A_2 = arith.muli %add3A, %mul3A_1 : i32
    "tpu.region"() ({
      %run_scoped3A = tpu.sem_alloc : memref<!tpu.dma_semaphore, #tpu.memory_space<semaphore_mem>>
      %dma_start3A_22 = tpu.memref_slice %arg2[%mul3A_2] : memref<1280000xf32, #tpu.memory_space<hbm>> -> memref<40000xf32, #tpu.memory_space<hbm>>
      %dma_start3A_23 = tpu.memref_slice %arg2[%mul3A_2] : memref<1280000xf32, #tpu.memory_space<hbm>> -> memref<40000xf32, #tpu.memory_space<hbm>>
      tpu.enqueue_dma source(%dma_start3A_23 : memref<40000xf32, #tpu.memory_space<hbm>>) target(%arg6 : memref<40000xf32, #tpu.memory_space<vmem>>) target_semaphore(%run_scoped3A : memref<!tpu.dma_semaphore, #tpu.memory_space<semaphore_mem>>)
      %dma_wait3A = tpu.memref_slice %arg2[%mul3A_2] : memref<1280000xf32, #tpu.memory_space<hbm>> -> memref<40000xf32, #tpu.memory_space<hbm>>
      %dma_wait3A_24 = tpu.memref_slice %arg2[%mul3A_2] : memref<1280000xf32, #tpu.memory_space<hbm>> -> memref<40000xf32, #tpu.memory_space<hbm>>
      tpu.wait_dma2 semaphore(%run_scoped3A : memref<!tpu.dma_semaphore, #tpu.memory_space<semaphore_mem>>) src(%dma_wait3A_24 : memref<40000xf32, #tpu.memory_space<hbm>>) dst(%arg6 : memref<40000xf32, #tpu.memory_space<vmem>>)
      tpu.yield
    }) : () -> ()
    %broadcast_in_dim3A = arith.constant 0xFF800000 : f32
    %broadcast_in_dim3A_3 = vector.broadcast %broadcast_in_dim3A : f32 to vector<16xf32>
    %scan3A = arith.constant 0 : i32
    %scan3A_4 = arith.constant 0 : i32
    %scan3A_5 = arith.constant 2500 : i32
    %scan3A_6 = arith.addi %scan3A_4, %scan3A_5 : i32
    %scan3A_7 = arith.constant 1 : i32
    scf.for %scan3A_22 = %scan3A_4 to %scan3A_6 step %scan3A_7  : i32 {
      %mul3A_23 = arith.constant 16 : i32
      %mul3A_24 = arith.muli %scan3A_22, %mul3A_23 : i32
      %swap3A = arith.index_cast %mul3A_24 : i32 to index
      %swap3A_25 = tpu.vector_load %arg7[%swap3A] {strides = array<i32>} : memref<40000xf32, #tpu.memory_space<vmem>>, vector<16xf32>,
      tpu.vector_store %arg7[%swap3A], %broadcast_in_dim3A_3 {strides = array<i32>} : memref<40000xf32, #tpu.memory_space<vmem>>, vector<16xf32>,
    }
    %scan3A_8 = arith.constant 2500 : i32
    %iota3A = tpu.iota {dimensions = array<i32: 0>} : vector<16xi32>
    %dma_start3A = arith.constant 0 : i32
    %dma_start3A_9 = tpu.memref_slice %arg3[%dma_start3A] : memref<320000xi32, #tpu.memory_space<hbm>> -> memref<3200xi32, #tpu.memory_space<hbm>>
    %dma_start3A_10 = arith.constant 0 : i32
    %dma_start3A_11 = tpu.memref_slice %arg3[%dma_start3A_10] : memref<320000xi32, #tpu.memory_space<hbm>> -> memref<3200xi32, #tpu.memory_space<hbm>>
    tpu.enqueue_dma source(%dma_start3A_11 : memref<3200xi32, #tpu.memory_space<hbm>>) target(%arg9 : memref<3200xi32, #tpu.memory_space<vmem>>) target_semaphore(%arg13 : memref<!tpu.dma_semaphore, #tpu.memory_space<semaphore_mem>>)
    %dma_start3A_12 = arith.constant 0 : i32
    %dma_start3A_13 = tpu.memref_slice %arg4[%dma_start3A_12] : memref<320000xi32, #tpu.memory_space<hbm>> -> memref<3200xi32, #tpu.memory_space<hbm>>
    %dma_start3A_14 = arith.constant 0 : i32
    %dma_start3A_15 = tpu.memref_slice %arg4[%dma_start3A_14] : memref<320000xi32, #tpu.memory_space<hbm>> -> memref<3200xi32, #tpu.memory_space<hbm>>
    tpu.enqueue_dma source(%dma_start3A_15 : memref<3200xi32, #tpu.memory_space<hbm>>) target(%arg11 : memref<3200xi32, #tpu.memory_space<vmem>>) target_semaphore(%arg15 : memref<!tpu.dma_semaphore, #tpu.memory_space<semaphore_mem>>)
    %scan3A_16 = arith.constant 0 : i32
    %scan3A_17 = arith.constant 0 : i32
    %scan3A_18 = arith.constant 50 : i32
    %scan3A_19 = arith.addi %scan3A_17, %scan3A_18 : i32
    %scan3A_20 = arith.constant 1 : i32
    scf.for %scan3A_22 = %scan3A_17 to %scan3A_19 step %scan3A_20  : i32 {
      %mul3A_23 = arith.constant 2 : i32
      %mul3A_24 = arith.muli %mul3A_23, %scan3A_22 : i32
      %add3A_25 = arith.constant 1 : i32
      %add3A_26 = arith.addi %mul3A_24, %add3A_25 : i32
      %mul3A_27 = arith.constant 3200 : i32
      %mul3A_28 = arith.muli %add3A_26, %mul3A_27 : i32
      %dma_start3A_29 = tpu.memref_slice %arg3[%mul3A_28] : memref<320000xi32, #tpu.memory_space<hbm>> -> memref<3200xi32, #tpu.memory_space<hbm>>
      %dma_start3A_30 = tpu.memref_slice %arg3[%mul3A_28] : memref<320000xi32, #tpu.memory_space<hbm>> -> memref<3200xi32, #tpu.memory_space<hbm>>
      tpu.enqueue_dma source(%dma_start3A_30 : memref<3200xi32, #tpu.memory_space<hbm>>) target(%arg10 : memref<3200xi32, #tpu.memory_space<vmem>>) target_semaphore(%arg14 : memref<!tpu.dma_semaphore, #tpu.memory_space<semaphore_mem>>)
      %mul3A_31 = arith.constant 3200 : i32
      %mul3A_32 = arith.muli %add3A_26, %mul3A_31 : i32
      %dma_start3A_33 = tpu.memref_slice %arg4[%mul3A_32] : memref<320000xi32, #tpu.memory_space<hbm>> -> memref<3200xi32, #tpu.memory_space<hbm>>
      %dma_start3A_34 = tpu.memref_slice %arg4[%mul3A_32] : memref<320000xi32, #tpu.memory_space<hbm>> -> memref<3200xi32, #tpu.memory_space<hbm>>
      tpu.enqueue_dma source(%dma_start3A_34 : memref<3200xi32, #tpu.memory_space<hbm>>) target(%arg12 : memref<3200xi32, #tpu.memory_space<vmem>>) target_semaphore(%arg16 : memref<!tpu.dma_semaphore, #tpu.memory_space<semaphore_mem>>)
      %dma_wait3A = arith.constant 0 : i32
      %dma_wait3A_35 = tpu.memref_slice %arg3[%dma_wait3A] : memref<320000xi32, #tpu.memory_space<hbm>> -> memref<3200xi32, #tpu.memory_space<hbm>>
      %dma_wait3A_36 = arith.constant 0 : i32
      %dma_wait3A_37 = tpu.memref_slice %arg3[%dma_wait3A_36] : memref<320000xi32, #tpu.memory_space<hbm>> -> memref<3200xi32, #tpu.memory_space<hbm>>
      tpu.wait_dma2 semaphore(%arg13 : memref<!tpu.dma_semaphore, #tpu.memory_space<semaphore_mem>>) src(%dma_wait3A_37 : memref<3200xi32, #tpu.memory_space<hbm>>) dst(%arg9 : memref<3200xi32, #tpu.memory_space<vmem>>)
      %dma_wait3A_38 = arith.constant 0 : i32
      %dma_wait3A_39 = tpu.memref_slice %arg4[%dma_wait3A_38] : memref<320000xi32, #tpu.memory_space<hbm>> -> memref<3200xi32, #tpu.memory_space<hbm>>
      %dma_wait3A_40 = arith.constant 0 : i32
      %dma_wait3A_41 = tpu.memref_slice %arg4[%dma_wait3A_40] : memref<320000xi32, #tpu.memory_space<hbm>> -> memref<3200xi32, #tpu.memory_space<hbm>>
      tpu.wait_dma2 semaphore(%arg15 : memref<!tpu.dma_semaphore, #tpu.memory_space<semaphore_mem>>) src(%dma_wait3A_41 : memref<3200xi32, #tpu.memory_space<hbm>>) dst(%arg11 : memref<3200xi32, #tpu.memory_space<vmem>>)
      %scan3A_42 = arith.constant 0 : i32
      %scan3A_43 = arith.constant 0 : i32
      %scan3A_44 = arith.constant 200 : i32
      %scan3A_45 = arith.addi %scan3A_43, %scan3A_44 : i32
      %scan3A_46 = arith.constant 1 : i32
      scf.for %scan3A_64 = %scan3A_43 to %scan3A_45 step %scan3A_46  : i32 {
        %mul3A_65 = arith.constant 16 : i32
        %mul3A_66 = arith.muli %scan3A_64, %mul3A_65 : i32
        %get3A = arith.index_cast %mul3A_66 : i32 to index
        %get3A_67 = tpu.vector_load %arg9[%get3A] {strides = array<i32>} : memref<3200xi32, #tpu.memory_space<vmem>>, vector<16xi32>,
        %mul3A_68 = arith.constant 16 : i32
        %mul3A_69 = arith.muli %scan3A_64, %mul3A_68 : i32
        %get3A_70 = arith.index_cast %mul3A_69 : i32 to index
        %get3A_71 = tpu.vector_load %arg11[%get3A_70] {strides = array<i32>} : memref<3200xi32, #tpu.memory_space<vmem>>, vector<16xi32>,
        %add3A_72 = arith.constant 0 : i32
        %add3A_73 = vector.broadcast %add3A_72 : i32 to vector<16xi32>
        %add3A_74 = arith.addi %get3A_67, %add3A_73 : vector<16xi32>
        %gather3A = tpu.vector_load_idx %arg6[%add3A_74] : memref<40000xf32, #tpu.memory_space<vmem>>[vector<16xi32>], vector<16xf32>,
        %add3A_75 = arith.constant 10000 : i32
        %add3A_76 = vector.broadcast %add3A_75 : i32 to vector<16xi32>
        %add3A_77 = arith.addi %get3A_67, %add3A_76 : vector<16xi32>
        %gather3A_78 = tpu.vector_load_idx %arg6[%add3A_77] : memref<40000xf32, #tpu.memory_space<vmem>>[vector<16xi32>], vector<16xf32>,
        %add3A_79 = arith.constant 20000 : i32
        %add3A_80 = vector.broadcast %add3A_79 : i32 to vector<16xi32>
        %add3A_81 = arith.addi %get3A_67, %add3A_80 : vector<16xi32>
        %gather3A_82 = tpu.vector_load_idx %arg6[%add3A_81] : memref<40000xf32, #tpu.memory_space<vmem>>[vector<16xi32>], vector<16xf32>,
        %add3A_83 = arith.constant 30000 : i32
        %add3A_84 = vector.broadcast %add3A_83 : i32 to vector<16xi32>
        %add3A_85 = arith.addi %get3A_67, %add3A_84 : vector<16xi32>
        %gather3A_86 = tpu.vector_load_idx %arg6[%add3A_85] : memref<40000xf32, #tpu.memory_space<vmem>>[vector<16xi32>], vector<16xf32>,
        %broadcast_in_dim3A_87 = arith.constant 1 : i32
        %broadcast_in_dim3A_88 = vector.broadcast %broadcast_in_dim3A_87 : i32 to vector<16xi32>
        %while3A = arith.constant 16 : i32
        %while3A_89:2 = scf.while (%while3A_90 = %broadcast_in_dim3A_88, %while3A_91 = %while3A) : (vector<16xi32>, i32) -> (vector<16xi32>, i32) {
          %gt3A = arith.constant 0 : i32
          %gt3A_92 = arith.cmpi sgt, %while3A_91, %gt3A : i32
          scf.condition(%gt3A_92) %while3A_90, %while3A_91 : vector<16xi32>, i32
        } do {
        ^bb0(%while3A_90: vector<16xi32>, %while3A_91: i32):
          %ne3A = arith.constant 0 : i32
          %ne3A_92 = vector.broadcast %ne3A : i32 to vector<16xi32>
          %ne3A_93 = arith.cmpi ne, %while3A_90, %ne3A_92 : vector<16xi32>
          tpu.vector_store_idx %arg8[%get3A_71], %iota3A masked %ne3A_93 : memref<10000xi32, #tpu.memory_space<vmem>>[vector<16xi32>], vector<16xi32>, vector<16xi1>
          %gather3A_94 = tpu.vector_load_idx %arg8[%get3A_71] : memref<10000xi32, #tpu.memory_space<vmem>>[vector<16xi32>], vector<16xi32>,
          %eq3A = arith.cmpi eq, %gather3A_94, %iota3A : vector<16xi32>
          %and3A = arith.andi %ne3A_93, %eq3A : vector<16xi1>
          %add3A_95 = arith.constant 0 : i32
          %add3A_96 = vector.broadcast %add3A_95 : i32 to vector<16xi32>
          %add3A_97 = arith.addi %get3A_71, %add3A_96 : vector<16xi32>
          %gather3A_98 = tpu.vector_load_idx %arg7[%add3A_97] : memref<40000xf32, #tpu.memory_space<vmem>>[vector<16xi32>], vector<16xf32>,
          %max3A = arith.maximumf %gather3A_98, %gather3A : vector<16xf32>
          tpu.vector_store_idx %arg7[%add3A_97], %max3A masked %and3A : memref<40000xf32, #tpu.memory_space<vmem>>[vector<16xi32>], vector<16xf32>, vector<16xi1>
          %add3A_99 = arith.constant 10000 : i32
          %add3A_100 = vector.broadcast %add3A_99 : i32 to vector<16xi32>
          %add3A_101 = arith.addi %get3A_71, %add3A_100 : vector<16xi32>
          %gather3A_102 = tpu.vector_load_idx %arg7[%add3A_101] : memref<40000xf32, #tpu.memory_space<vmem>>[vector<16xi32>], vector<16xf32>,
          %max3A_103 = arith.maximumf %gather3A_102, %gather3A_78 : vector<16xf32>
          tpu.vector_store_idx %arg7[%add3A_101], %max3A_103 masked %and3A : memref<40000xf32, #tpu.memory_space<vmem>>[vector<16xi32>], vector<16xf32>, vector<16xi1>
          %add3A_104 = arith.constant 20000 : i32
          %add3A_105 = vector.broadcast %add3A_104 : i32 to vector<16xi32>
          %add3A_106 = arith.addi %get3A_71, %add3A_105 : vector<16xi32>
          %gather3A_107 = tpu.vector_load_idx %arg7[%add3A_106] : memref<40000xf32, #tpu.memory_space<vmem>>[vector<16xi32>], vector<16xf32>,
          %max3A_108 = arith.maximumf %gather3A_107, %gather3A_82 : vector<16xf32>
          tpu.vector_store_idx %arg7[%add3A_106], %max3A_108 masked %and3A : memref<40000xf32, #tpu.memory_space<vmem>>[vector<16xi32>], vector<16xf32>, vector<16xi1>
          %add3A_109 = arith.constant 30000 : i32
          %add3A_110 = vector.broadcast %add3A_109 : i32 to vector<16xi32>
          %add3A_111 = arith.addi %get3A_71, %add3A_110 : vector<16xi32>
          %gather3A_112 = tpu.vector_load_idx %arg7[%add3A_111] : memref<40000xf32, #tpu.memory_space<vmem>>[vector<16xi32>], vector<16xf32>,
          %max3A_113 = arith.maximumf %gather3A_112, %gather3A_86 : vector<16xf32>
          tpu.vector_store_idx %arg7[%add3A_111], %max3A_113 masked %and3A : memref<40000xf32, #tpu.memory_space<vmem>>[vector<16xi32>], vector<16xf32>, vector<16xi1>
          %broadcast_in_dim3A_114 = arith.constant 0 : i32
          %broadcast_in_dim3A_115 = vector.broadcast %broadcast_in_dim3A_114 : i32 to vector<16xi32>
          %select_n3A = arith.select %and3A, %broadcast_in_dim3A_115, %while3A_90 : vector<16xi1>, vector<16xi32>
          %reduce_sum3A = arith.constant true
          %reduce_sum3A_116 = vector.broadcast %reduce_sum3A : i1 to vector<16xi1>
          %reduce_sum3A_117 = tpu.scan <sum>, %select_n3A masked %reduce_sum3A_116 : vector<16xi32>, vector<16xi1> -> vector<16xi32>
          %reduce_sum3A_118 = vector.extract %reduce_sum3A_117[15] : i32 from vector<16xi32>
          scf.yield %select_n3A, %reduce_sum3A_118 : vector<16xi32>, i32
        }
      }
      %scan3A_47 = arith.constant 200 : i32
      %lt3A = arith.constant 49 : i32
      %lt3A_48 = arith.cmpi slt, %scan3A_22, %lt3A : i32
      %convert_element_type3A = arith.extui %lt3A_48 : i1 to i32
      %cond3A = arith.constant 0 : i32
      %cond3A_49 = arith.cmpi ne, %convert_element_type3A, %cond3A : i32
      scf.if %cond3A_49 {
        %mul3A_64 = arith.constant 2 : i32
        %mul3A_65 = arith.muli %mul3A_64, %scan3A_22 : i32
        %add3A_66 = arith.constant 2 : i32
        %add3A_67 = arith.addi %mul3A_65, %add3A_66 : i32
        %mul3A_68 = arith.constant 3200 : i32
        %mul3A_69 = arith.muli %add3A_67, %mul3A_68 : i32
        %dma_start3A_70 = tpu.memref_slice %arg3[%mul3A_69] : memref<320000xi32, #tpu.memory_space<hbm>> -> memref<3200xi32, #tpu.memory_space<hbm>>
        %dma_start3A_71 = tpu.memref_slice %arg3[%mul3A_69] : memref<320000xi32, #tpu.memory_space<hbm>> -> memref<3200xi32, #tpu.memory_space<hbm>>
        tpu.enqueue_dma source(%dma_start3A_71 : memref<3200xi32, #tpu.memory_space<hbm>>) target(%arg9 : memref<3200xi32, #tpu.memory_space<vmem>>) target_semaphore(%arg13 : memref<!tpu.dma_semaphore, #tpu.memory_space<semaphore_mem>>)
        %mul3A_72 = arith.constant 3200 : i32
        %mul3A_73 = arith.muli %add3A_67, %mul3A_72 : i32
        %dma_start3A_74 = tpu.memref_slice %arg4[%mul3A_73] : memref<320000xi32, #tpu.memory_space<hbm>> -> memref<3200xi32, #tpu.memory_space<hbm>>
        %dma_start3A_75 = tpu.memref_slice %arg4[%mul3A_73] : memref<320000xi32, #tpu.memory_space<hbm>> -> memref<3200xi32, #tpu.memory_space<hbm>>
        tpu.enqueue_dma source(%dma_start3A_75 : memref<3200xi32, #tpu.memory_space<hbm>>) target(%arg11 : memref<3200xi32, #tpu.memory_space<vmem>>) target_semaphore(%arg15 : memref<!tpu.dma_semaphore, #tpu.memory_space<semaphore_mem>>)
      } else {
      }
      %dma_wait3A_50 = arith.constant 0 : i32
      %dma_wait3A_51 = tpu.memref_slice %arg3[%dma_wait3A_50] : memref<320000xi32, #tpu.memory_space<hbm>> -> memref<3200xi32, #tpu.memory_space<hbm>>
      %dma_wait3A_52 = arith.constant 0 : i32
      %dma_wait3A_53 = tpu.memref_slice %arg3[%dma_wait3A_52] : memref<320000xi32, #tpu.memory_space<hbm>> -> memref<3200xi32, #tpu.memory_space<hbm>>
      tpu.wait_dma2 semaphore(%arg14 : memref<!tpu.dma_semaphore, #tpu.memory_space<semaphore_mem>>) src(%dma_wait3A_53 : memref<3200xi32, #tpu.memory_space<hbm>>) dst(%arg10 : memref<3200xi32, #tpu.memory_space<vmem>>)
      %dma_wait3A_54 = arith.constant 0 : i32
      %dma_wait3A_55 = tpu.memref_slice %arg4[%dma_wait3A_54] : memref<320000xi32, #tpu.memory_space<hbm>> -> memref<3200xi32, #tpu.memory_space<hbm>>
      %dma_wait3A_56 = arith.constant 0 : i32
      %dma_wait3A_57 = tpu.memref_slice %arg4[%dma_wait3A_56] : memref<320000xi32, #tpu.memory_space<hbm>> -> memref<3200xi32, #tpu.memory_space<hbm>>
      tpu.wait_dma2 semaphore(%arg16 : memref<!tpu.dma_semaphore, #tpu.memory_space<semaphore_mem>>) src(%dma_wait3A_57 : memref<3200xi32, #tpu.memory_space<hbm>>) dst(%arg12 : memref<3200xi32, #tpu.memory_space<vmem>>)
      %scan3A_58 = arith.constant 0 : i32
      %scan3A_59 = arith.constant 0 : i32
      %scan3A_60 = arith.constant 200 : i32
      %scan3A_61 = arith.addi %scan3A_59, %scan3A_60 : i32
      %scan3A_62 = arith.constant 1 : i32
      scf.for %scan3A_64 = %scan3A_59 to %scan3A_61 step %scan3A_62  : i32 {
        %mul3A_65 = arith.constant 16 : i32
        %mul3A_66 = arith.muli %scan3A_64, %mul3A_65 : i32
        %get3A = arith.index_cast %mul3A_66 : i32 to index
        %get3A_67 = tpu.vector_load %arg10[%get3A] {strides = array<i32>} : memref<3200xi32, #tpu.memory_space<vmem>>, vector<16xi32>,
        %mul3A_68 = arith.constant 16 : i32
        %mul3A_69 = arith.muli %scan3A_64, %mul3A_68 : i32
        %get3A_70 = arith.index_cast %mul3A_69 : i32 to index
        %get3A_71 = tpu.vector_load %arg12[%get3A_70] {strides = array<i32>} : memref<3200xi32, #tpu.memory_space<vmem>>, vector<16xi32>,
        %add3A_72 = arith.constant 0 : i32
        %add3A_73 = vector.broadcast %add3A_72 : i32 to vector<16xi32>
        %add3A_74 = arith.addi %get3A_67, %add3A_73 : vector<16xi32>
        %gather3A = tpu.vector_load_idx %arg6[%add3A_74] : memref<40000xf32, #tpu.memory_space<vmem>>[vector<16xi32>], vector<16xf32>,
        %add3A_75 = arith.constant 10000 : i32
        %add3A_76 = vector.broadcast %add3A_75 : i32 to vector<16xi32>
        %add3A_77 = arith.addi %get3A_67, %add3A_76 : vector<16xi32>
        %gather3A_78 = tpu.vector_load_idx %arg6[%add3A_77] : memref<40000xf32, #tpu.memory_space<vmem>>[vector<16xi32>], vector<16xf32>,
        %add3A_79 = arith.constant 20000 : i32
        %add3A_80 = vector.broadcast %add3A_79 : i32 to vector<16xi32>
        %add3A_81 = arith.addi %get3A_67, %add3A_80 : vector<16xi32>
        %gather3A_82 = tpu.vector_load_idx %arg6[%add3A_81] : memref<40000xf32, #tpu.memory_space<vmem>>[vector<16xi32>], vector<16xf32>,
        %add3A_83 = arith.constant 30000 : i32
        %add3A_84 = vector.broadcast %add3A_83 : i32 to vector<16xi32>
        %add3A_85 = arith.addi %get3A_67, %add3A_84 : vector<16xi32>
        %gather3A_86 = tpu.vector_load_idx %arg6[%add3A_85] : memref<40000xf32, #tpu.memory_space<vmem>>[vector<16xi32>], vector<16xf32>,
        %broadcast_in_dim3A_87 = arith.constant 1 : i32
        %broadcast_in_dim3A_88 = vector.broadcast %broadcast_in_dim3A_87 : i32 to vector<16xi32>
        %while3A = arith.constant 16 : i32
        %while3A_89:2 = scf.while (%while3A_90 = %broadcast_in_dim3A_88, %while3A_91 = %while3A) : (vector<16xi32>, i32) -> (vector<16xi32>, i32) {
          %gt3A = arith.constant 0 : i32
          %gt3A_92 = arith.cmpi sgt, %while3A_91, %gt3A : i32
          scf.condition(%gt3A_92) %while3A_90, %while3A_91 : vector<16xi32>, i32
        } do {
        ^bb0(%while3A_90: vector<16xi32>, %while3A_91: i32):
          %ne3A = arith.constant 0 : i32
          %ne3A_92 = vector.broadcast %ne3A : i32 to vector<16xi32>
          %ne3A_93 = arith.cmpi ne, %while3A_90, %ne3A_92 : vector<16xi32>
          tpu.vector_store_idx %arg8[%get3A_71], %iota3A masked %ne3A_93 : memref<10000xi32, #tpu.memory_space<vmem>>[vector<16xi32>], vector<16xi32>, vector<16xi1>
          %gather3A_94 = tpu.vector_load_idx %arg8[%get3A_71] : memref<10000xi32, #tpu.memory_space<vmem>>[vector<16xi32>], vector<16xi32>,
          %eq3A = arith.cmpi eq, %gather3A_94, %iota3A : vector<16xi32>
          %and3A = arith.andi %ne3A_93, %eq3A : vector<16xi1>
          %add3A_95 = arith.constant 0 : i32
          %add3A_96 = vector.broadcast %add3A_95 : i32 to vector<16xi32>
          %add3A_97 = arith.addi %get3A_71, %add3A_96 : vector<16xi32>
          %gather3A_98 = tpu.vector_load_idx %arg7[%add3A_97] : memref<40000xf32, #tpu.memory_space<vmem>>[vector<16xi32>], vector<16xf32>,
          %max3A = arith.maximumf %gather3A_98, %gather3A : vector<16xf32>
          tpu.vector_store_idx %arg7[%add3A_97], %max3A masked %and3A : memref<40000xf32, #tpu.memory_space<vmem>>[vector<16xi32>], vector<16xf32>, vector<16xi1>
          %add3A_99 = arith.constant 10000 : i32
          %add3A_100 = vector.broadcast %add3A_99 : i32 to vector<16xi32>
          %add3A_101 = arith.addi %get3A_71, %add3A_100 : vector<16xi32>
          %gather3A_102 = tpu.vector_load_idx %arg7[%add3A_101] : memref<40000xf32, #tpu.memory_space<vmem>>[vector<16xi32>], vector<16xf32>,
          %max3A_103 = arith.maximumf %gather3A_102, %gather3A_78 : vector<16xf32>
          tpu.vector_store_idx %arg7[%add3A_101], %max3A_103 masked %and3A : memref<40000xf32, #tpu.memory_space<vmem>>[vector<16xi32>], vector<16xf32>, vector<16xi1>
          %add3A_104 = arith.constant 20000 : i32
          %add3A_105 = vector.broadcast %add3A_104 : i32 to vector<16xi32>
          %add3A_106 = arith.addi %get3A_71, %add3A_105 : vector<16xi32>
          %gather3A_107 = tpu.vector_load_idx %arg7[%add3A_106] : memref<40000xf32, #tpu.memory_space<vmem>>[vector<16xi32>], vector<16xf32>,
          %max3A_108 = arith.maximumf %gather3A_107, %gather3A_82 : vector<16xf32>
          tpu.vector_store_idx %arg7[%add3A_106], %max3A_108 masked %and3A : memref<40000xf32, #tpu.memory_space<vmem>>[vector<16xi32>], vector<16xf32>, vector<16xi1>
          %add3A_109 = arith.constant 30000 : i32
          %add3A_110 = vector.broadcast %add3A_109 : i32 to vector<16xi32>
          %add3A_111 = arith.addi %get3A_71, %add3A_110 : vector<16xi32>
          %gather3A_112 = tpu.vector_load_idx %arg7[%add3A_111] : memref<40000xf32, #tpu.memory_space<vmem>>[vector<16xi32>], vector<16xf32>,
          %max3A_113 = arith.maximumf %gather3A_112, %gather3A_86 : vector<16xf32>
          tpu.vector_store_idx %arg7[%add3A_111], %max3A_113 masked %and3A : memref<40000xf32, #tpu.memory_space<vmem>>[vector<16xi32>], vector<16xf32>, vector<16xi1>
          %broadcast_in_dim3A_114 = arith.constant 0 : i32
          %broadcast_in_dim3A_115 = vector.broadcast %broadcast_in_dim3A_114 : i32 to vector<16xi32>
          %select_n3A = arith.select %and3A, %broadcast_in_dim3A_115, %while3A_90 : vector<16xi1>, vector<16xi32>
          %reduce_sum3A = arith.constant true
          %reduce_sum3A_116 = vector.broadcast %reduce_sum3A : i1 to vector<16xi1>
          %reduce_sum3A_117 = tpu.scan <sum>, %select_n3A masked %reduce_sum3A_116 : vector<16xi32>, vector<16xi1> -> vector<16xi32>
          %reduce_sum3A_118 = vector.extract %reduce_sum3A_117[15] : i32 from vector<16xi32>
          scf.yield %select_n3A, %reduce_sum3A_118 : vector<16xi32>, i32
        }
      }
      %scan3A_63 = arith.constant 200 : i32
    }
    %scan3A_21 = arith.constant 50 : i32
    "tpu.region"() ({
      %run_scoped3A = tpu.sem_alloc : memref<!tpu.dma_semaphore, #tpu.memory_space<semaphore_mem>>
      %dma_start3A_22 = tpu.memref_slice %arg5[%mul3A_2] : memref<1280000xf32, #tpu.memory_space<hbm>> -> memref<40000xf32, #tpu.memory_space<hbm>>
      %dma_start3A_23 = tpu.memref_slice %arg5[%mul3A_2] : memref<1280000xf32, #tpu.memory_space<hbm>> -> memref<40000xf32, #tpu.memory_space<hbm>>
      tpu.enqueue_dma source(%arg7 : memref<40000xf32, #tpu.memory_space<vmem>>) target(%dma_start3A_23 : memref<40000xf32, #tpu.memory_space<hbm>>) target_semaphore(%run_scoped3A : memref<!tpu.dma_semaphore, #tpu.memory_space<semaphore_mem>>)
      %dma_wait3A = tpu.memref_slice %arg5[%mul3A_2] : memref<1280000xf32, #tpu.memory_space<hbm>> -> memref<40000xf32, #tpu.memory_space<hbm>>
      %dma_wait3A_24 = tpu.memref_slice %arg5[%mul3A_2] : memref<1280000xf32, #tpu.memory_space<hbm>> -> memref<40000xf32, #tpu.memory_space<hbm>>
      tpu.wait_dma2 semaphore(%run_scoped3A : memref<!tpu.dma_semaphore, #tpu.memory_space<semaphore_mem>>) src(%arg7 : memref<40000xf32, #tpu.memory_space<vmem>>) dst(%dma_wait3A_24 : memref<40000xf32, #tpu.memory_space<hbm>>)
      tpu.yield
    }) : () -> ()
    return
  }
}

module attributes {stable_mosaic.version = 14 : i64} {
  func.func @_mm1_body(%arg0: memref<10000x128xf32, #tpu.memory_space<vmem>>, %arg1: memref<256x128xf32, #tpu.memory_space<vmem>>, %arg2: memref<128x1xf32, #tpu.memory_space<vmem>>, %arg3: memref<128x10000xf32, #tpu.memory_space<vmem>>, %arg4: memref<128x10000xf32, #tpu.memory_space<vmem>>) attributes {dimension_semantics = [], scalar_prefetch = 0 : i64, scratch_operands = 0 : i64, tpu.core_type = #tpu.core_type<tc>} {
    %get3A = arith.constant 0 : index
    %get3A_0 = arith.constant 0 : index
    %get3A_1 = vector.load %arg0[%get3A, %get3A_0] : memref<10000x128xf32, #tpu.memory_space<vmem>>, vector<10000x128xf32>
    %get3A_2 = arith.constant 0 : index
    %get3A_3 = arith.constant 0 : index
    %get3A_4 = vector.load %arg1[%get3A_2, %get3A_3] : memref<256x128xf32, #tpu.memory_space<vmem>>, vector<256x128xf32>
    %slice3A = vector.extract_strided_slice %get3A_4 {offsets = [0, 0], sizes = [128, 128], strides = [1, 1]} : vector<256x128xf32> to vector<128x128xf32>
    %slice3A_5 = vector.extract_strided_slice %get3A_4 {offsets = [128, 0], sizes = [128, 128], strides = [1, 1]} : vector<256x128xf32> to vector<128x128xf32>
    %sub3A = arith.subf %slice3A, %slice3A_5 : vector<128x128xf32>
    %dot_general3A = arith.constant dense<0.000000e+00> : vector<128x10000xf32>
    %dot_general3A_6 = tpu.matmul %sub3A, %get3A_1, %dot_general3A {dimension_numbers = #tpu.dot_dimension_numbers<[0], [1], [1], [0], [0, 1, 1, 0], [], []>, transpose_lhs_hint = false} : vector<128x128xf32>, vector<10000x128xf32>, vector<128x10000xf32> -> vector<128x10000xf32>
    %get3A_7 = arith.constant 0 : index
    %get3A_8 = arith.constant 0 : index
    %get3A_9 = vector.load %arg2[%get3A_7, %get3A_8] : memref<128x1xf32, #tpu.memory_space<vmem>>, vector<128x1xf32>
    %add3A = vector.broadcast %get3A_9 : vector<128x1xf32> to vector<128x10000xf32>
    %add3A_10 = arith.addf %dot_general3A_6, %add3A : vector<128x10000xf32>
    %swap3A = arith.constant 0 : index
    %swap3A_11 = arith.constant 0 : index
    %swap3A_12 = vector.load %arg3[%swap3A, %swap3A_11] : memref<128x10000xf32, #tpu.memory_space<vmem>>, vector<128x10000xf32>
    tpu.vector_store %arg3[%swap3A, %swap3A_11], %add3A_10 {strides = array<i32>} : memref<128x10000xf32, #tpu.memory_space<vmem>>, vector<128x10000xf32>,
    %dot_general3A_13 = arith.constant dense<0.000000e+00> : vector<128x10000xf32>
    %dot_general3A_14 = tpu.matmul %slice3A_5, %get3A_1, %dot_general3A_13 {dimension_numbers = #tpu.dot_dimension_numbers<[0], [1], [1], [0], [0, 1, 1, 0], [], []>, transpose_lhs_hint = false} : vector<128x128xf32>, vector<10000x128xf32>, vector<128x10000xf32> -> vector<128x10000xf32>
    %swap3A_15 = arith.constant 0 : index
    %swap3A_16 = arith.constant 0 : index
    %swap3A_17 = vector.load %arg4[%swap3A_15, %swap3A_16] : memref<128x10000xf32, #tpu.memory_space<vmem>>, vector<128x10000xf32>
    tpu.vector_store %arg4[%swap3A_15, %swap3A_16], %dot_general3A_14 {strides = array<i32>} : memref<128x10000xf32, #tpu.memory_space<vmem>>, vector<128x10000xf32>,
    return
  }
}

module attributes {stable_mosaic.version = 14 : i64} {
  func.func @_mm2_body(%arg0: memref<128x10000xf32, #tpu.memory_space<vmem>>, %arg1: memref<128x10000xf32, #tpu.memory_space<vmem>>, %arg2: memref<256x128xf32, #tpu.memory_space<vmem>>, %arg3: memref<128x1xf32, #tpu.memory_space<vmem>>, %arg4: memref<128x10000xf32, #tpu.memory_space<vmem>>, %arg5: memref<128x10000xf32, #tpu.memory_space<vmem>>) attributes {dimension_semantics = [], scalar_prefetch = 0 : i64, scratch_operands = 0 : i64, tpu.core_type = #tpu.core_type<tc>} {
    %get3A = arith.constant 0 : index
    %get3A_0 = arith.constant 0 : index
    %get3A_1 = vector.load %arg0[%get3A, %get3A_0] : memref<128x10000xf32, #tpu.memory_space<vmem>>, vector<128x10000xf32>
    %get3A_2 = arith.constant 0 : index
    %get3A_3 = arith.constant 0 : index
    %get3A_4 = vector.load %arg1[%get3A_2, %get3A_3] : memref<128x10000xf32, #tpu.memory_space<vmem>>, vector<128x10000xf32>
    %add3A = arith.addf %get3A_1, %get3A_4 : vector<128x10000xf32>
    %is_finite3A = tpu.weird %add3A : vector<128x10000xf32> -> vector<128x10000xi1>
    %is_finite3A_5 = arith.constant dense<true> : vector<128x10000xi1>
    %is_finite3A_6 = arith.xori %is_finite3A, %is_finite3A_5 : vector<128x10000xi1>
    %jit3A = arith.constant 0.000000e+00 : f32
    %broadcast_in_dim3A = vector.broadcast %jit3A : f32 to vector<128x10000xf32>
    %select_n3A = arith.select %is_finite3A_6, %add3A, %broadcast_in_dim3A : vector<128x10000xi1>, vector<128x10000xf32>
    %max3A = arith.constant 0.000000e+00 : f32
    %max3A_7 = vector.broadcast %max3A : f32 to vector<128x10000xf32>
    %max3A_8 = arith.maximumf %select_n3A, %max3A_7 : vector<128x10000xf32>
    %get3A_9 = arith.constant 0 : index
    %get3A_10 = arith.constant 0 : index
    %get3A_11 = vector.load %arg2[%get3A_9, %get3A_10] : memref<256x128xf32, #tpu.memory_space<vmem>>, vector<256x128xf32>
    %slice3A = vector.extract_strided_slice %get3A_11 {offsets = [0, 0], sizes = [128, 128], strides = [1, 1]} : vector<256x128xf32> to vector<128x128xf32>
    %slice3A_12 = vector.extract_strided_slice %get3A_11 {offsets = [128, 0], sizes = [128, 128], strides = [1, 1]} : vector<256x128xf32> to vector<128x128xf32>
    %sub3A = arith.subf %slice3A, %slice3A_12 : vector<128x128xf32>
    %dot_general3A = arith.constant dense<0.000000e+00> : vector<128x10000xf32>
    %dot_general3A_13 = tpu.matmul %sub3A, %max3A_8, %dot_general3A {dimension_numbers = #tpu.dot_dimension_numbers<[0], [0], [1], [1], [0, 1, 1, 1], [], []>, transpose_lhs_hint = false} : vector<128x128xf32>, vector<128x10000xf32>, vector<128x10000xf32> -> vector<128x10000xf32>
    %get3A_14 = arith.constant 0 : index
    %get3A_15 = arith.constant 0 : index
    %get3A_16 = vector.load %arg3[%get3A_14, %get3A_15] : memref<128x1xf32, #tpu.memory_space<vmem>>, vector<128x1xf32>
    %add3A_17 = vector.broadcast %get3A_16 : vector<128x1xf32> to vector<128x10000xf32>
    %add3A_18 = arith.addf %dot_general3A_13, %add3A_17 : vector<128x10000xf32>
    %swap3A = arith.constant 0 : index
    %swap3A_19 = arith.constant 0 : index
    %swap3A_20 = vector.load %arg4[%swap3A, %swap3A_19] : memref<128x10000xf32, #tpu.memory_space<vmem>>, vector<128x10000xf32>
    tpu.vector_store %arg4[%swap3A, %swap3A_19], %add3A_18 {strides = array<i32>} : memref<128x10000xf32, #tpu.memory_space<vmem>>, vector<128x10000xf32>,
    %dot_general3A_21 = arith.constant dense<0.000000e+00> : vector<128x10000xf32>
    %dot_general3A_22 = tpu.matmul %slice3A_12, %max3A_8, %dot_general3A_21 {dimension_numbers = #tpu.dot_dimension_numbers<[0], [0], [1], [1], [0, 1, 1, 1], [], []>, transpose_lhs_hint = false} : vector<128x128xf32>, vector<128x10000xf32>, vector<128x10000xf32> -> vector<128x10000xf32>
    %swap3A_23 = arith.constant 0 : index
    %swap3A_24 = arith.constant 0 : index
    %swap3A_25 = vector.load %arg5[%swap3A_23, %swap3A_24] : memref<128x10000xf32, #tpu.memory_space<vmem>>, vector<128x10000xf32>
    tpu.vector_store %arg5[%swap3A_23, %swap3A_24], %dot_general3A_22 {strides = array<i32>} : memref<128x10000xf32, #tpu.memory_space<vmem>>, vector<128x10000xf32>,
    return
  }
}

module attributes {stable_mosaic.version = 14 : i64} {
  func.func @_fin_body(%arg0: memref<128x10000xf32, #tpu.memory_space<vmem>>, %arg1: memref<128x10000xf32, #tpu.memory_space<vmem>>, %arg2: memref<10000x128xf32, #tpu.memory_space<vmem>>) attributes {dimension_semantics = [], scalar_prefetch = 0 : i64, scratch_operands = 0 : i64, tpu.core_type = #tpu.core_type<tc>} {
    %get3A = arith.constant 0 : index
    %get3A_0 = arith.constant 0 : index
    %get3A_1 = vector.load %arg0[%get3A, %get3A_0] : memref<128x10000xf32, #tpu.memory_space<vmem>>, vector<128x10000xf32>
    %get3A_2 = arith.constant 0 : index
    %get3A_3 = arith.constant 0 : index
    %get3A_4 = vector.load %arg1[%get3A_2, %get3A_3] : memref<128x10000xf32, #tpu.memory_space<vmem>>, vector<128x10000xf32>
    %add3A = arith.addf %get3A_1, %get3A_4 : vector<128x10000xf32>
    %is_finite3A = tpu.weird %add3A : vector<128x10000xf32> -> vector<128x10000xi1>
    %is_finite3A_5 = arith.constant dense<true> : vector<128x10000xi1>
    %is_finite3A_6 = arith.xori %is_finite3A, %is_finite3A_5 : vector<128x10000xi1>
    %jit3A = arith.constant 0.000000e+00 : f32
    %broadcast_in_dim3A = vector.broadcast %jit3A : f32 to vector<128x10000xf32>
    %select_n3A = arith.select %is_finite3A_6, %add3A, %broadcast_in_dim3A : vector<128x10000xi1>, vector<128x10000xf32>
    %reduce_max3A = arith.constant dense<0xFF800000> : vector<10000xf32>
    %reduce_max3A_7 = vector.multi_reduction <maximumf>, %select_n3A, %reduce_max3A [0] : vector<128x10000xf32> to vector<10000xf32>
    %broadcast_in_dim3A_8 = vector.shape_cast %reduce_max3A_7 : vector<10000xf32> to vector<1x10000xf32>
    %sub3A = vector.broadcast %broadcast_in_dim3A_8 : vector<1x10000xf32> to vector<128x10000xf32>
    %sub3A_9 = arith.subf %select_n3A, %sub3A : vector<128x10000xf32>
    %exp3A = math.exp %sub3A_9 : vector<128x10000xf32>
    %reduce_sum3A = arith.constant dense<0.000000e+00> : vector<10000xf32>
    %reduce_sum3A_10 = vector.multi_reduction <add>, %exp3A, %reduce_sum3A [0] : vector<128x10000xf32> to vector<10000xf32>
    %broadcast_in_dim3A_11 = vector.shape_cast %reduce_sum3A_10 : vector<10000xf32> to vector<1x10000xf32>
    %log3A = math.log %broadcast_in_dim3A_11 : vector<1x10000xf32>
    %add3A_12 = arith.addf %log3A, %broadcast_in_dim3A_8 : vector<1x10000xf32>
    %sub3A_13 = vector.broadcast %add3A_12 : vector<1x10000xf32> to vector<128x10000xf32>
    %sub3A_14 = arith.subf %select_n3A, %sub3A_13 : vector<128x10000xf32>
    %transpose3A = tpu.transpose %sub3A_14, [1, 0] : vector<128x10000xf32> -> vector<10000x128xf32>
    %swap3A = arith.constant 0 : index
    %swap3A_15 = arith.constant 0 : index
    %swap3A_16 = vector.load %arg2[%swap3A, %swap3A_15] : memref<10000x128xf32, #tpu.memory_space<vmem>>, vector<10000x128xf32>
    tpu.vector_store %arg2[%swap3A, %swap3A_15], %transpose3A {strides = array<i32>} : memref<10000x128xf32, #tpu.memory_space<vmem>>, vector<10000x128xf32>,
    return
  }
}

</mosaic_0001>

<sc_bundles>
// kernel: kernel.10.cloned.1.call-start
scs
__scs_entry_jumppad:
0x0: {  	(pc) =	sbr.rel $0x88, $3  }
0x1: {  	(tag) =	ssettag $0x0;
	lr =	simm.s32 $0x1  }
0x2: {  	[smem:$0x3F9B] =	sst lr;
	_ =	strace $0xD0000000  }
0x3: {  	_ = 	snop  }
0x4: {  	_ = 	snop  }
0x5: {  	_ = 	snop  }
0x6: {  	_ = 	snop  }
0x7: {  	_ = 	snop  }
__scs_overlays_trampoline_lowered:
0x8: {  	[smem:$0x3FAA] =	sst s0  }
0x9: {  	[smem:$0x3FAB] =	sst s1  }
0xa: {  	[smem:$0x3FAC] =	sst s2  }
0xb: {  	[smem:$0x3FAD] =	sst s3  }
0xc: {  	[smem:$0x3FAE] =	sst s4  }
0xd: {  	[smem:$0x3FAF] =	sst s5  }
0xe: {  	[smem:$0x3FB0] =	sst s6  }
0xf: {  	[smem:$0x3FB1] =	sst s7  }
0x10: {  	[smem:$0x3FB2] =	sst s8  }
0x11: {  	[smem:$0x3FB3] =	sst s9;
	s0 =	simm.s32 @!p0 $0x0  }
0x12: {  	s1 =	sld [smem:$0x3F99];
	s0 =	simm.s32 @p0 $0x1  }
0x13: {  	[smem:$0x3FB4] =	sst s0;
	s0 =	simm.s32 @!p1 $0x0  }
0x14: {  	s2 =	sld [smem:$0x3F98];
	s0 =	simm.s32 @p1 $0x1  }
0x15: {  	[smem:$0x3FB5] =	sst s0;
	s0 =	simm.s32 @!p2 $0x0  }
0x16: {  	s3 =	sld [smem:$0x3FDB];
	s0 =	simm.s32 @p2 $0x1  }
0x17: {  	s4 =	simm.s32 $0x1BF5;
	[smem:$0x3FB7] =	sst s0  }
0x18: {  	s0 =	sld [smem:$0x3F9A];
	_ =	swait.ge [sflag:s4], $0x0  }
0x19: {  	s7 =	sld [smem:$0x3F9B]  }
0x1a: {  	s8 =	sadd.s32 $0xFFFFE003, lr  }
0x1b: {  	s9 =	sadd.s32 $0xFFFFFEF7, lr;
	s5 =	simm.s32 $0xFFFFFFFF;
	p2 =	slt.u32 s8, $0xFFFFF086  }
0x1c: {  	p1 =	slt.u32 s9, $0xF7A;
	s5 =	simm.s32 @!p2 $0x0  }
0x1d: {  	s5 =	simm.s32 @p1 $0x1;
	p0 =	seq.s32 s7, s2  }
0x1e: {  	s7 =	smul.u32 @!p0 $0xF7A, s2;
	p2 =	seq.s32 @!p0 s5, $0x0  }
0x1f: {  	s9 =	smul.u32 $0xF7A, s1;
	s8 =	simm.s32 @!p0 $0x1BF5;
	p2 =	por !p2, p0  }
0x20: {  	[sflag:s8] =	ssyncset.s32 @!p0 $0xFFFFF086;
	s6 =	sadd.s32 @!p0 s3, s7;
	s7 =	simm.s32 @!p0 $0x108  }
0x21: {  	s3 =	sadd.s32 s3, s9;
	s6 =	sadd.s32 @!p0 $0x88, s6;
	s7 =	simm.s32 @p2 $0x1082  }
0x22: {  	[simem:s7], [sflag:s8] =	dma.local @!p0 [hbm:s6], $0xF7A  }
0x23: {  	s9 =	sor.u32 $0xD0000000, s2;
	s6 =	simm.s32 $0x108;
	_ =	swait.ge @!p0 [sflag:s8], $0x0  }
0x24: {  	s3 =	sadd.s32 $0x88, s3;
	s6 =	simm.s32 @!p1 $0x1082;
	[sflag:s4] =	ssyncset.s32 $0xFFFFF086  }
0x25: {  	[simem:s6], [sflag:s4] =	dma.local [hbm:s3], $0xF7A  }
0x26: {  	[smem:$0x3F9B] =	sst s1;
	(tag) =	ssettag s2;
	_ =	strace s9  }
0x27: {  	s1 =	sld [smem:$0x3FAB]  }
0x28: {  	s2 =	sld [smem:$0x3FAC]  }
0x29: {  	s4 =	sld [smem:$0x3FAE]  }
0x2a: {  	p0 =	seq.s32 s5, $0x0;
	s5 =	sld [smem:$0x3FAF]  }
0x2b: {  	s6 =	sld [smem:$0x3FB0]  }
0x2c: {  	s7 =	sld [smem:$0x3FB1]  }
0x2d: {  	s3 =	simm.s32 $0x108;
	s8 =	sld [smem:$0x3FB2]  }
0x2e: {  	s3 =	simm.s32 @!p0 $0x1082;
	s9 =	sld [smem:$0x3FB3]  }
0x2f: {  	lr =	sadd.s32 s0, s3;
	s0 =	sld [smem:$0x3FAA]  }
0x30: {  	s3 =	sld [smem:$0x3FAD]  }
0x31: {  	[smem:$0x3FB6] =	sst s10  }
0x32: {  	s10 =	sld [smem:$0x3FB4];
	_ =	sdelay $0x3  }
0x33: {  	p0 =	seq.s32 s10, $0x1;
	s10 =	sld [smem:$0x3FB6];
	_ =	sdelay $0x3  }
0x34: {  	[smem:$0x3FB6] =	sst s10  }
0x35: {  	s10 =	sld [smem:$0x3FB5];
	_ =	sdelay $0x3  }
0x36: {  	p1 =	seq.s32 s10, $0x1;
	s10 =	sld [smem:$0x3FB6];
	_ =	sdelay $0x3  }
0x37: {  	[smem:$0x3FB6] =	sst s10  }
0x38: {  	s10 =	sld [smem:$0x3FB7]  }
0x39: {  	_ = 	snop;
	(pc) =	sbr.ind lr, $3  }
0x3a: {  	_ = 	snop  }
0x3b: {  	_ = 	snop  }
0x3c: {  	p2 =	seq.s32 s10, $0x1;
	s10 =	sld [smem:$0x3FB6]  }
0x3d: {  	_ =	shalt  }
0x3e: {  	_ =	shalt  }
0x3f: {  	_ =	shalt  }
0x40: {  	_ =	shalt  }
0x41: {  	_ =	shalt  }
0x42: {  	_ =	shalt  }
0x43: {  	_ =	shalt  }
0x44: {  	_ =	shalt  }
0x45: {  	_ =	shalt  }
0x46: {  	_ =	shalt  }
0x47: {  	_ =	shalt  }
0x48: {  	_ =	shalt  }
0x49: {  	_ =	shalt  }
0x4a: {  	_ =	shalt  }
0x4b: {  	_ =	shalt  }
0x4c: {  	_ =	shalt  }
0x4d: {  	_ =	shalt  }
0x4e: {  	_ =	shalt  }
0x4f: {  	_ =	shalt  }
0x50: {  	_ =	shalt  }
0x51: {  	_ =	shalt  }
0x52: {  	_ =	shalt  }
0x53: {  	_ =	shalt  }
0x54: {  	_ =	shalt  }
0x55: {  	_ =	shalt  }
0x56: {  	_ =	shalt  }
0x57: {  	_ =	shalt  }
0x58: {  	_ =	shalt  }
0x59: {  	_ =	shalt  }
0x5a: {  	_ =	shalt  }
0x5b: {  	_ =	shalt  }
0x5c: {  	_ =	shalt  }
0x5d: {  	_ =	shalt  }
0x5e: {  	_ =	shalt  }
0x5f: {  	_ =	shalt  }
0x60: {  	_ =	shalt  }
0x61: {  	_ =	shalt  }
0x62: {  	_ =	shalt  }
0x63: {  	_ =	shalt  }
0x64: {  	_ =	shalt  }
0x65: {  	_ =	shalt  }
0x66: {  	_ =	shalt  }
0x67: {  	_ =	shalt  }
0x68: {  	_ =	shalt  }
0x69: {  	_ =	shalt  }
0x6a: {  	_ =	shalt  }
0x6b: {  	_ =	shalt  }
0x6c: {  	_ =	shalt  }
0x6d: {  	_ =	shalt  }
0x6e: {  	_ =	shalt  }
0x6f: {  	_ =	shalt  }
0x70: {  	_ =	shalt  }
0x71: {  	_ =	shalt  }
0x72: {  	_ =	shalt  }
0x73: {  	_ =	shalt  }
0x74: {  	_ =	shalt  }
0x75: {  	_ =	shalt  }
0x76: {  	_ =	shalt  }
0x77: {  	_ =	shalt  }
0x78: {  	_ =	shalt  }
0x79: {  	_ =	shalt  }
0x7a: {  	_ =	shalt  }
0x7b: {  	_ =	shalt  }
0x7c: {  	_ =	shalt  }
0x7d: {  	_ =	shalt  }
0x7e: {  	_ =	shalt  }
0x7f: {  	_ =	shalt  }
0x80: {  	_ =	shalt  }
0x81: {  	_ =	shalt  }
0x82: {  	_ =	shalt  }
0x83: {  	_ =	shalt  }
0x84: {  	_ =	shalt  }
0x85: {  	_ =	shalt  }
0x86: {  	_ =	shalt  }
0x87: {  	_ =	shalt  }
.Lfunc_end0:
.L_simem_size_0:
called_computation.1_lowered:
.L_overlay_start_0:
0x88: {  	s2 =	sld [smem:$0x3FD9]  }
0x89: {  	s3 =	sld [smem:$0x3FFE];
	_ =	sdelay $0x1  }
0x8a: {  	s1 =	srdreg.scid  }
0x8b: {  	s0 =	sand.u32 $0x1, s1  }
0x8c: {  	s17 =	sshll.u32 s0, $0xA;
	s2 =	sadd.s32 s3, s2  }
0x8d: {  	s2 =	sadd.s32 s2, s17  }
0x8e: {  	[smem:$0x3FC2] =	sst s2  }
0x8f: {  	_ = 	snop  }
0x90: {  	s2 =	sld [smem:$0x3FD0];
	(tm) =	ssettm $0x1  }
0x91: {  	s18 =	sld [smem:$0x3FFB];
	_ =	sdelay $0x3  }
0x92: {  	_ =	strace s18  }
0x93: {  	s3 =	sld [smem:$0x3FFC];
	_ =	sdelay $0x3  }
0x94: {  	_ =	strace s3  }
0x95: {  	s3 =	sld [smem:$0x3FFD];
	_ =	sdelay $0x3  }
0x96: {  	_ =	strace s3  }
0x97: {  	_ =	strace $0x8FFFFFFF  }
0x98: {  	s19 =	sld [smem:$0x3FDB];
	_ =	sdelay $0x1  }
0x99: {  	s4 =	simm.s32 $_scs_section_size  }
0x9a: {  	s5 =	simm.s32 $_size__tile_overlayer_lowered;
	s6 =	simm.s32 $_tile_overlayer_lowered  }
0x9b: {  	s22 =	simm.s32 $0x1BFF;
	s21 =	sshll.u32 s6, $0x1;
	s3 =	sadd.s32 s4, s19  }
0x9c: {  	s7 =	simm.s32 $0x0;
	s20 =	sshll.u32 s5, $0x1;
	s5 =	sadd.s32 s21, s3  }
0x9d: {  	[timem:s7], [sflag:s22] =	dma.local [hbm:s5], s20  }
0x9e: {  	_ =	swait.ge [sflag:s22], s20  }
0x9f: {  	s4 =	ssub.s32 $0x0, s20;
	[sflag:s22] =	ssyncset.done $0x0  }
0xa0: {  	[sflag:s22] =	ssyncadd.s32 s4;
	_ =	sdelay $0x1  }
0xa1: {  	s23 =	simm.s32 $0x1B8B  }
0xa2: {  	_ =	swait.ge [sflag:s23], $0x1  }
0xa3: {  	[sflag:s23] =	ssyncset.done $0x0  }
0xa4: {  	s25 =	simm.s32 $0x1B8E;
	s24 =	sld [smem:$0x3FFE];
	[sflag:s23] =	ssyncadd.s32 $0xFFFFFFFF  }
0xa5: {  	s26 =	simm.s32 $execute0_lowered;
	[smem:$0x3FD2] =	sst s25  }
0xa6: {  	s5 =	sshll.u32 s26, $0x1;
	_ =	strace $0x80000049;
	[dreg:$0x1] =	wrdreg $0xFFFFFFFF  }
0xa7: {  	s28 =	simm.s32 $_size_execute0_lowered;
	s3 =	sadd.s32 s3, s5;
	[dreg:$0x0] =	wrdreg $0x0  }
0xa8: {  	s5 =	sshll.u32 s28, $0x1;
	[dreg:$0x2] =	wrdreg s3  }
0xa9: {  	[dreg:$0x3] =	wrdreg s5  }
0xaa: {  	[dreg:$0x4] =	wrdreg $0xC0  }
0xab: {  	_ =	task [dreg:s7], $0x5FFFF  }
0xac: {  	[dreg:$0x1] =	wrdreg $0xFFFFFFFF  }
0xad: {  	[dreg:$0x0] =	wrdreg $0x60  }
0xae: {  	[dreg:$0x2] =	wrdreg s2  }
0xaf: {  	[dreg:$0x3] =	wrdreg s24  }
0xb0: {  	[dreg:$0x4] =	wrdreg $0x9  }
0xb1: {  	_ =	task.clear_ibuf [dreg:s7], $0x5FFFF;
	_ =	strace $0x90000049  }
0xb2: {  	s29 =	simm.s32 $0x9;
	_ =	strace $0x8000004B  }
0xb3: {  	_ =	swait.ge [sflag:s29], $0x1  }
0xb4: {  	[sflag:s29] =	ssyncadd.s32 $0xFFFFFFFF  }
0xb5: {  	_ =	strace $0x9000004B  }
0xb6: {  	_ =	sfence  }
0xb7: {  	s30 =	sld [smem:$0x0];
	_ =	sdelay $0x2  }
0xb8: {  	s31 =	sshll.u32 s1, $0xD;
	s1 =	sshrl.u32 s1, $0x2  }
0xb9: {  	s3 =	sand.u32 $0x4000, s31;
	s1 =	sadd.s32 s1, s30  }
0xba: {  	s0 =	sor.u32 s3, s0;
	s1 =	sshll.u32 s1, $0x11  }
0xbb: {  	s0 =	sor.u32 s1, s0  }
0xbc: {  	s0 =	sadd.s32 $0x8F2B, s0  }
0xbd: {  	[sflag:s0] =	ssyncadd.remote.s32 $0x1  }
0xbe: {  	_ =	sfence.sel $0xFFFF  }
0xbf: {  	[dreg:$0x0] =	wrdreg $0xFFFFFFFF;
	(pc) =	sbr.abs _section_cstart, $3  }
0xc0: {  	[dreg:$0x1] =	wrdreg $0xFFFFFFFF  }
0xc1: {  	_ =	task.clear_ibuf [dreg:s7], $0x2FFFF;
	_ =	strace $0x9FFFFFFF  }
0xc2: {  	(tm) =	ssettm $0x7FFFFFFF  }
0xc3: {  	_ =	shalt  }
tec
execute0_lowered:
.L_overlay_start_1:
0x0: {  	(tag) =	ssettag $0x1  }
0x1: {  	s5 =	rddreg [dreg:$0x0]  }
0x2: {  	s1 =	srdreg.scid;
	s0 =	stileid.u32  }
0x3: {  	s6 =	rddreg [dreg:$0x1];
	s2 =	simm.s32 $0x0;
	s10 =	simm.s32 $0x17980  }
0x4: {  	s11 =	simm.s32 $0x16D00;
	s12 =	simm.s32 $0x18600;
	s13 =	simm.s32 $0x1  }
0x5: {  	s14 =	simm.s32 $0x3;
	s15 =	simm.s32 $0x13900;
	s16 =	simm.s32 $0x9C80  }
0x6: {  	s17 =	simm.s32 $0x2;
	s18 =	simm.s32 $0x4;
	s19 =	simm.s32 $0x0  }
0x7: {  	s3 =	sand.u32 $0x1, s1;
	s4 =	sshll.u32 s0, $0x1;
	s1 =	rddreg [dreg:$0x2]  }
0x8: {  	[smem:$0x7FF] =	sst s2;
	s4 =	sor.u32 s3, s4;
	s8 =	ssub.s32 $0x2, s3  }
0x9: {  	_ =	strace $0x8000004A;
	s7 =	smul.u32 $0x1388, s4;
	s9 =	sshrl.u32 s8, $0x1  }
0xa: {  	s3 =	sadd.s32 $0xAA00, s6;
	s4 =	sadd.s32 $0xC00, s6;
	s8 =	ssub.s32 s8, s9  }
0xb: {  	s9 =	simm.s32 $0x16080;
	s6 =	sadd.s32 s7, s6;
	s5 =	sadd.s32 s5, s7  }
0xc: {  	v0 =	vimm.f32 $-Inf;
	v1 =	vlaneseq.u32;
	s7 =	smax.u32 s8, $0x1;
	s8 =	simm.s32 $0x5;
	s6 =	sadd.s32 $0x14800, s6  }
.LBB2_1:
0xd: {  	[tilespmem:s2], [sflag:$0x5] =	stream.linear.gather [hbm4b:s5+s2], $0x9C40, $0x38;
	[tilespmem:$0x19280] =	vst v63  }
0xe: {  	_ =	swait.ge [sflag:s8], $0x9C40  }
0xf: {  	[sflag:s8] =	ssyncset.done $0x0  }
0x10: {  	s20 =	simm.s32 $0x40;
	s21 =	simm.s32 $0x0;
	[sflag:s8] =	ssyncadd.s32 $0xFFFF63C0  }
.LBB2_2:
0x11: {  	p0 =	sne.s32 s20, $0x270C0;
	[tilespmem:s21+$0x9C80] =	vst v0;
	s21 =	smov.u32 s20;
	s20 =	sadd.s32 $0x40, s20  }
.Ltmp0:
0x12: {  	(pc) =	sbr.rel @p0 .LBB2_2-.Ltmp0, $2  }
0x13: {  	_ =	sdelay $0x2  }
0x14: {  	s21 =	sshra.s32 s21, $0x2  }
0x15: {  	[tilespmem:s21+$0x9C80] =	vst v0;
	s20 =	simm.s32 $0x0  }
0x16: {  	[tilespmem:s9], [sflag:$0x1] =	stream.linear.gather [hbm4b:s3+s20], $0xC80, $0x38;
	[tilespmem:$0x19280] =	vst v63  }
0x17: {  	s21 =	simm.s32 $0x0  }
0x18: {  	[tilespmem:s10], [sflag:$0x3] =	stream.linear.gather [hbm4b:s4+s20], $0xC80, $0x38;
	[tilespmem:$0x19280] =	vst v63  }
.LBB2_4:
0x19: {  	s22 =	smul.u32 $0x1900, s21;
	_ =	sdelay $0x1  }
0x1a: {  	s23 =	sshrl.u32 s22, $0x3  }
0x1b: {  	s23 =	sadd.s32 $0x190, s23  }
0x1c: {  	s24 =	sadd.s32 s3, s23  }
0x1d: {  	[tilespmem:s11], [sflag:$0x2] =	stream.linear.gather [hbm4b:s24+s20], $0xC80, $0x38;
	[tilespmem:$0x19280] =	vst v63  }
0x1e: {  	s23 =	sadd.s32 s4, s23  }
0x1f: {  	[tilespmem:s12], [sflag:$0x4] =	stream.linear.gather [hbm4b:s23+s20], $0xC80, $0x38;
	[tilespmem:$0x19280] =	vst v63  }
0x20: {  	_ =	swait.ge [sflag:s13], $0xC80  }
0x21: {  	[sflag:s13] =	ssyncset.done $0x0  }
0x22: {  	[sflag:s13] =	ssyncadd.s32 $0xFFFFF380  }
0x23: {  	_ =	swait.ge [sflag:s14], $0xC80  }
0x24: {  	[sflag:s14] =	ssyncset.done $0x0  }
0x25: {  	s23 =	simm.s32 $0x0;
	[sflag:s14] =	ssyncadd.s32 $0xFFFFF380  }
.LBB2_5:
0x26: {  	s24 =	sshll.u32 s23, $0x4  }
0x27: {  	v3 =	vld [tilespmem:s24+$0x16080];
	_ =	sdelay $0x4  }
0x28: {  	v4 =	vadd.s32 $0x2710, v3  }
0x29: {  	v5 =	vadd.s32 $0x4E20, v3  }
0x2a: {  	v2 =	vld [tilespmem:s24+$0x17980];
	v7 =	vadd.s32 $0x7530, v3;
	_ =	sdelay $0x1  }
0x2b: {  	v3 =	vld.idx.msk [tilespmem:v3+s2+$0x0], $0xffff  }
0x2c: {  	v4 =	vld.idx.msk [tilespmem:v4+s2+$0x0], $0xffff  }
0x2d: {  	v10 =	vimm.s32 $0x1;
	v5 =	vld.idx.msk [tilespmem:v5+s2+$0x0], $0xffff  }
0x2e: {  	v6 =	vadd.s32 $0x2710, v2;
	v8 =	vadd.s32 $0x4E20, v2;
	v9 =	vadd.s32 $0x7530, v2;
	v7 =	vld.idx.msk [tilespmem:v7+s2+$0x0], $0xffff  }
.LBB2_6:
0x2f: {  	vm0 =	vne.s32 v10, $0x0;
	_ =	sdelay $0x5  }
0x30: {  	[tilespmem:v2+s15+$0x0] =	vst.idx.msk vm0, v1  }
0x31: {  	v11 =	vld.idx.msk [tilespmem:v2+s15+$0x0], $0xffff;
	_ =	sdelay $0x4  }
0x32: {  	vm1 =	veq.s32 v11, v1  }
0x33: {  	v10 =	vsel vm1, $0x0, v10  }
0x34: {  	(xrf0) =	vadd.scan.msk.s32 $0xffff, v10  }
0x35: {  	v11 =	vld.idx.msk [tilespmem:v2+s16+$0x0], $0xffff;
	vm0 =	vmand vm0, vm1;
	_ =	sdelay $0x4  }
0x36: {  	v11 =	vmax.f32 v11, v3;
	v12, _, _ =	vpop (xrf0)  }
0x37: {  	[tilespmem:v2+s16+$0x0] =	vst.idx.msk vm0, v11;
	(v2sf) =	vpush v12, $0xF  }
0x38: {  	v11 =	vld.idx.msk [tilespmem:v6+s16+$0x0], $0xffff;
	_ =	sdelay $0x4  }
0x39: {  	v11 =	vmax.f32 v11, v4  }
0x3a: {  	[tilespmem:v6+s16+$0x0] =	vst.idx.msk vm0, v11  }
0x3b: {  	v11 =	vld.idx.msk [tilespmem:v8+s16+$0x0], $0xffff;
	_ =	sdelay $0x4  }
0x3c: {  	v11 =	vmax.f32 v11, v5  }
0x3d: {  	[tilespmem:v8+s16+$0x0] =	vst.idx.msk vm0, v11  }
0x3e: {  	v11 =	vld.idx.msk [tilespmem:v9+s16+$0x0], $0xffff;
	s24 =	spop (v2sf)  }
0x3f: {  	p0 =	sgt.s32 s24, $0x0  }
.Ltmp1:
0x40: {  	_ = 	snop;
	(pc) =	sbr.rel @p0 .LBB2_6-.Ltmp1, $3  }
0x41: {  	_ =	sdelay $0x1  }
0x42: {  	v11 =	vmax.f32 v11, v7  }
0x43: {  	[tilespmem:v9+s16+$0x0] =	vst.idx.msk vm0, v11  }
0x44: {  	s23 =	sadd.s32 $0x1, s23  }
0x45: {  	p0 =	sne.s32 s23, $0xC8  }
.Ltmp2:
0x46: {  	_ = 	snop;
	(pc) =	sbr.rel @p0 .LBB2_5-.Ltmp2, $1  }
0x47: {  	_ =	sdelay $0x3  }
0x48: {  	p0 =	seq.s32 s21, $0x31  }
0x49: {  	s22 =	sshrl.u32 @!p0 s22, $0x3  }
0x4a: {  	s22 =	sadd.s32 @!p0 $0x320, s22  }
0x4b: {  	s24 =	simm.s32 @!p0 $0x0;
	s25 =	simm.s32 @!p0 $0x16080;
	s23 =	sadd.s32 @!p0 s3, s22  }
0x4c: {  	[tilespmem:s25], [sflag:$0x1] =	stream.linear.gather @!p0 [hbm4b:s23+s24], $0xC80, $0x38;
	[tilespmem:$0x19280] =	vst v63  }
0x4d: {  	s22 =	sadd.s32 @!p0 s4, s22;
	s23 =	simm.s32 @!p0 $0x17980  }
0x4e: {  	[tilespmem:s23], [sflag:$0x3] =	stream.linear.gather @!p0 [hbm4b:s22+s24], $0xC80, $0x38;
	[tilespmem:$0x19280] =	vst v63  }
0x4f: {  	_ =	swait.ge [sflag:s17], $0xC80  }
0x50: {  	[sflag:s17] =	ssyncset.done $0x0  }
0x51: {  	[sflag:s17] =	ssyncadd.s32 $0xFFFFF380  }
0x52: {  	_ =	swait.ge [sflag:s18], $0xC80  }
0x53: {  	[sflag:s18] =	ssyncset.done $0x0  }
0x54: {  	s22 =	simm.s32 $0x0;
	[sflag:s18] =	ssyncadd.s32 $0xFFFFF380  }
.LBB2_9:
0x55: {  	s23 =	sshll.u32 s22, $0x4  }
0x56: {  	v3 =	vld [tilespmem:s23+$0x16D00];
	_ =	sdelay $0x4  }
0x57: {  	v4 =	vadd.s32 $0x2710, v3  }
0x58: {  	v5 =	vadd.s32 $0x4E20, v3  }
0x59: {  	v2 =	vld [tilespmem:s23+$0x18600];
	v7 =	vadd.s32 $0x7530, v3;
	_ =	sdelay $0x1  }
0x5a: {  	v3 =	vld.idx.msk [tilespmem:v3+s2+$0x0], $0xffff  }
0x5b: {  	v4 =	vld.idx.msk [tilespmem:v4+s2+$0x0], $0xffff  }
0x5c: {  	v10 =	vimm.s32 $0x1;
	v5 =	vld.idx.msk [tilespmem:v5+s2+$0x0], $0xffff  }
0x5d: {  	v6 =	vadd.s32 $0x2710, v2;
	v8 =	vadd.s32 $0x4E20, v2;
	v9 =	vadd.s32 $0x7530, v2;
	v7 =	vld.idx.msk [tilespmem:v7+s2+$0x0], $0xffff  }
.LBB2_10:
0x5e: {  	vm0 =	vne.s32 v10, $0x0;
	_ =	sdelay $0x5  }
0x5f: {  	[tilespmem:v2+s15+$0x0] =	vst.idx.msk vm0, v1  }
0x60: {  	v11 =	vld.idx.msk [tilespmem:v2+s15+$0x0], $0xffff;
	_ =	sdelay $0x4  }
0x61: {  	vm1 =	veq.s32 v11, v1  }
0x62: {  	v10 =	vsel vm1, $0x0, v10  }
0x63: {  	(xrf0) =	vadd.scan.msk.s32 $0xffff, v10  }
0x64: {  	v11 =	vld.idx.msk [tilespmem:v2+s16+$0x0], $0xffff;
	vm0 =	vmand vm0, vm1;
	_ =	sdelay $0x4  }
0x65: {  	v11 =	vmax.f32 v11, v3;
	v12, _, _ =	vpop (xrf0)  }
0x66: {  	[tilespmem:v2+s16+$0x0] =	vst.idx.msk vm0, v11;
	(v2sf) =	vpush v12, $0xF  }
0x67: {  	v11 =	vld.idx.msk [tilespmem:v6+s16+$0x0], $0xffff;
	_ =	sdelay $0x4  }
0x68: {  	v11 =	vmax.f32 v11, v4  }
0x69: {  	[tilespmem:v6+s16+$0x0] =	vst.idx.msk vm0, v11  }
0x6a: {  	v11 =	vld.idx.msk [tilespmem:v8+s16+$0x0], $0xffff;
	_ =	sdelay $0x4  }
0x6b: {  	v11 =	vmax.f32 v11, v5  }
0x6c: {  	[tilespmem:v8+s16+$0x0] =	vst.idx.msk vm0, v11  }
0x6d: {  	v11 =	vld.idx.msk [tilespmem:v9+s16+$0x0], $0xffff;
	s23 =	spop (v2sf)  }
0x6e: {  	p0 =	sgt.s32 s23, $0x0  }
.Ltmp3:
0x6f: {  	_ = 	snop;
	(pc) =	sbr.rel @p0 .LBB2_10-.Ltmp3, $3  }
0x70: {  	_ =	sdelay $0x1  }
0x71: {  	v11 =	vmax.f32 v11, v7  }
0x72: {  	[tilespmem:v9+s16+$0x0] =	vst.idx.msk vm0, v11  }
0x73: {  	s22 =	sadd.s32 $0x1, s22  }
0x74: {  	p0 =	sne.s32 s22, $0xC8  }
.Ltmp4:
0x75: {  	_ = 	snop;
	(pc) =	sbr.rel @p0 .LBB2_9-.Ltmp4, $1  }
0x76: {  	_ =	sdelay $0x3  }
0x77: {  	s21 =	sadd.s32 $0x1, s21  }
0x78: {  	p0 =	sne.s32 s21, $0x32  }
.Ltmp5:
0x79: {  	_ = 	snop;
	(pc) =	sbr.rel @p0 .LBB2_4-.Ltmp5, $1  }
0x7a: {  	_ =	sdelay $0x3  }
0x7b: {  	s19 =	sadd.s32 $0x1, s19  }
0x7c: {  	p0 =	sne.s32 s19, s7  }
.Ltmp6:
0x7d: {  	_ = 	snop;
	(pc) =	sbr.rel @p0 .LBB2_1-.Ltmp6, $4  }
0x7e: {  	[hbm4b:s6+s2] =	stream.linear.scatter [tilespmem:s16], [sflag:$0x5], $0x9C40, $0x38;
	[tilespmem:$0x19280] =	vst v63  }
0x7f: {  	_ =	swait.ge [sflag:s8], $0x9C40  }
0x80: {  	[sflag:s8] =	ssyncset.done $0x0  }
0x81: {  	[sflag:s8] =	ssyncadd.s32 $0xFFFF63C0  }
0x82: {  	_ =	sfence.sel $0x180000  }
0x83: {  	[bflag:$0x0] =	sbarrier.arrive $0xFFFF  }
0x84: {  	p0 =	sne.s32 s0, $0x0;
	_ =	strace $0x9000004A  }
0x85: {  	s0 =	sadd.s32 @!p0 $0x100000, s1;
	[bflag:$0x2] =	sbarrier.arrive $0xFFFF  }
0x86: {  	[sflag:s0] =	ssyncadd.tile.s32 @!p0 $0x1;
	_ =	shalt  }
.Lfunc_end2:
_tile_overlayer_lowered:
.L_overlay_start_2:
0x87: {  	(tag) =	ssettag $0x2  }
0x88: {  	s0 =	rddreg [dreg:$0x0];
	s2 =	stileid.u32  }
0x89: {  	s1 =	rddreg [dreg:$0x1];
	p0 =	sne.s32 s2, $0x0  }
0x8a: {  	s3 =	rddreg [dreg:$0x2];
	[bflag:$0x3] =	sbarrier.arrive $0xFFFF;
	s2 =	simm.s32 @!p0 $0x1C05  }
0x8b: {  	[timem:s3], [sflag:s2] =	dma.local @!p0 [hbm:s0], s1  }
0x8c: {  	s0 =	simm.s32 @!p0 $0x5  }
0x8d: {  	_ =	swait.ge @!p0 [sflag:s0], s1  }
0x8e: {  	s1 =	ssub.s32 @!p0 $0x0, s1;
	[sflag:s0] =	ssyncset.done @!p0 $0x0  }
0x8f: {  	[sflag:s0] =	ssyncadd.s32 @!p0 s1  }
0x90: {  	[bflag:$0x3] =	sbarrier.arrive $0xFFFF  }
0x91: {  	_ =	shalt  }

// kernel: kernel.7.cloned.1.call-start
scs
__scs_entry_jumppad:
0x0: {  	(pc) =	sbr.rel $0x88, $3  }
0x1: {  	(tag) =	ssettag $0x0;
	lr =	simm.s32 $0x1  }
0x2: {  	[smem:$0x3F9B] =	sst lr;
	_ =	strace $0xD0000000  }
0x3: {  	_ = 	snop  }
0x4: {  	_ = 	snop  }
0x5: {  	_ = 	snop  }
0x6: {  	_ = 	snop  }
0x7: {  	_ = 	snop  }
__scs_overlays_trampoline_lowered:
0x8: {  	[smem:$0x3FAA] =	sst s0  }
0x9: {  	[smem:$0x3FAB] =	sst s1  }
0xa: {  	[smem:$0x3FAC] =	sst s2  }
0xb: {  	[smem:$0x3FAD] =	sst s3  }
0xc: {  	[smem:$0x3FAE] =	sst s4  }
0xd: {  	[smem:$0x3FAF] =	sst s5  }
0xe: {  	[smem:$0x3FB0] =	sst s6  }
0xf: {  	[smem:$0x3FB1] =	sst s7  }
0x10: {  	[smem:$0x3FB2] =	sst s8  }
0x11: {  	[smem:$0x3FB3] =	sst s9;
	s0 =	simm.s32 @!p0 $0x0  }
0x12: {  	s1 =	sld [smem:$0x3F99];
	s0 =	simm.s32 @p0 $0x1  }
0x13: {  	[smem:$0x3FB4] =	sst s0;
	s0 =	simm.s32 @!p1 $0x0  }
0x14: {  	s2 =	sld [smem:$0x3F98];
	s0 =	simm.s32 @p1 $0x1  }
0x15: {  	[smem:$0x3FB5] =	sst s0;
	s0 =	simm.s32 @!p2 $0x0  }
0x16: {  	s3 =	sld [smem:$0x3FDB];
	s0 =	simm.s32 @p2 $0x1  }
0x17: {  	s4 =	simm.s32 $0x1BF5;
	[smem:$0x3FB7] =	sst s0  }
0x18: {  	s0 =	sld [smem:$0x3F9A];
	_ =	swait.ge [sflag:s4], $0x0  }
0x19: {  	s7 =	sld [smem:$0x3F9B]  }
0x1a: {  	s8 =	sadd.s32 $0xFFFFE003, lr  }
0x1b: {  	s9 =	sadd.s32 $0xFFFFFEF7, lr;
	s5 =	simm.s32 $0xFFFFFFFF;
	p2 =	slt.u32 s8, $0xFFFFF086  }
0x1c: {  	p1 =	slt.u32 s9, $0xF7A;
	s5 =	simm.s32 @!p2 $0x0  }
0x1d: {  	s5 =	simm.s32 @p1 $0x1;
	p0 =	seq.s32 s7, s2  }
0x1e: {  	s7 =	smul.u32 @!p0 $0xF7A, s2;
	p2 =	seq.s32 @!p0 s5, $0x0  }
0x1f: {  	s9 =	smul.u32 $0xF7A, s1;
	s8 =	simm.s32 @!p0 $0x1BF5;
	p2 =	por !p2, p0  }
0x20: {  	[sflag:s8] =	ssyncset.s32 @!p0 $0xFFFFF086;
	s6 =	sadd.s32 @!p0 s3, s7;
	s7 =	simm.s32 @!p0 $0x108  }
0x21: {  	s3 =	sadd.s32 s3, s9;
	s6 =	sadd.s32 @!p0 $0x88, s6;
	s7 =	simm.s32 @p2 $0x1082  }
0x22: {  	[simem:s7], [sflag:s8] =	dma.local @!p0 [hbm:s6], $0xF7A  }
0x23: {  	s9 =	sor.u32 $0xD0000000, s2;
	s6 =	simm.s32 $0x108;
	_ =	swait.ge @!p0 [sflag:s8], $0x0  }
0x24: {  	s3 =	sadd.s32 $0x88, s3;
	s6 =	simm.s32 @!p1 $0x1082;
	[sflag:s4] =	ssyncset.s32 $0xFFFFF086  }
0x25: {  	[simem:s6], [sflag:s4] =	dma.local [hbm:s3], $0xF7A  }
0x26: {  	[smem:$0x3F9B] =	sst s1;
	(tag) =	ssettag s2;
	_ =	strace s9  }
0x27: {  	s1 =	sld [smem:$0x3FAB]  }
0x28: {  	s2 =	sld [smem:$0x3FAC]  }
0x29: {  	s4 =	sld [smem:$0x3FAE]  }
0x2a: {  	p0 =	seq.s32 s5, $0x0;
	s5 =	sld [smem:$0x3FAF]  }
0x2b: {  	s6 =	sld [smem:$0x3FB0]  }
0x2c: {  	s7 =	sld [smem:$0x3FB1]  }
0x2d: {  	s3 =	simm.s32 $0x108;
	s8 =	sld [smem:$0x3FB2]  }
0x2e: {  	s3 =	simm.s32 @!p0 $0x1082;
	s9 =	sld [smem:$0x3FB3]  }
0x2f: {  	lr =	sadd.s32 s0, s3;
	s0 =	sld [smem:$0x3FAA]  }
0x30: {  	s3 =	sld [smem:$0x3FAD]  }
0x31: {  	[smem:$0x3FB6] =	sst s10  }
0x32: {  	s10 =	sld [smem:$0x3FB4];
	_ =	sdelay $0x3  }
0x33: {  	p0 =	seq.s32 s10, $0x1;
	s10 =	sld [smem:$0x3FB6];
	_ =	sdelay $0x3  }
0x34: {  	[smem:$0x3FB6] =	sst s10  }
0x35: {  	s10 =	sld [smem:$0x3FB5];
	_ =	sdelay $0x3  }
0x36: {  	p1 =	seq.s32 s10, $0x1;
	s10 =	sld [smem:$0x3FB6];
	_ =	sdelay $0x3  }
0x37: {  	[smem:$0x3FB6] =	sst s10  }
0x38: {  	s10 =	sld [smem:$0x3FB7]  }
0x39: {  	_ = 	snop;
	(pc) =	sbr.ind lr, $3  }
0x3a: {  	_ = 	snop  }
0x3b: {  	_ = 	snop  }
0x3c: {  	p2 =	seq.s32 s10, $0x1;
	s10 =	sld [smem:$0x3FB6]  }
0x3d: {  	_ =	shalt  }
0x3e: {  	_ =	shalt  }
0x3f: {  	_ =	shalt  }
0x40: {  	_ =	shalt  }
0x41: {  	_ =	shalt  }
0x42: {  	_ =	shalt  }
0x43: {  	_ =	shalt  }
0x44: {  	_ =	shalt  }
0x45: {  	_ =	shalt  }
0x46: {  	_ =	shalt  }
0x47: {  	_ =	shalt  }
0x48: {  	_ =	shalt  }
0x49: {  	_ =	shalt  }
0x4a: {  	_ =	shalt  }
0x4b: {  	_ =	shalt  }
0x4c: {  	_ =	shalt  }
0x4d: {  	_ =	shalt  }
0x4e: {  	_ =	shalt  }
0x4f: {  	_ =	shalt  }
0x50: {  	_ =	shalt  }
0x51: {  	_ =	shalt  }
0x52: {  	_ =	shalt  }
0x53: {  	_ =	shalt  }
0x54: {  	_ =	shalt  }
0x55: {  	_ =	shalt  }
0x56: {  	_ =	shalt  }
0x57: {  	_ =	shalt  }
0x58: {  	_ =	shalt  }
0x59: {  	_ =	shalt  }
0x5a: {  	_ =	shalt  }
0x5b: {  	_ =	shalt  }
0x5c: {  	_ =	shalt  }
0x5d: {  	_ =	shalt  }
0x5e: {  	_ =	shalt  }
0x5f: {  	_ =	shalt  }
0x60: {  	_ =	shalt  }
0x61: {  	_ =	shalt  }
0x62: {  	_ =	shalt  }
0x63: {  	_ =	shalt  }
0x64: {  	_ =	shalt  }
0x65: {  	_ =	shalt  }
0x66: {  	_ =	shalt  }
0x67: {  	_ =	shalt  }
0x68: {  	_ =	shalt  }
0x69: {  	_ =	shalt  }
0x6a: {  	_ =	shalt  }
0x6b: {  	_ =	shalt  }
0x6c: {  	_ =	shalt  }
0x6d: {  	_ =	shalt  }
0x6e: {  	_ =	shalt  }
0x6f: {  	_ =	shalt  }
0x70: {  	_ =	shalt  }
0x71: {  	_ =	shalt  }
0x72: {  	_ =	shalt  }
0x73: {  	_ =	shalt  }
0x74: {  	_ =	shalt  }
0x75: {  	_ =	shalt  }
0x76: {  	_ =	shalt  }
0x77: {  	_ =	shalt  }
0x78: {  	_ =	shalt  }
0x79: {  	_ =	shalt  }
0x7a: {  	_ =	shalt  }
0x7b: {  	_ =	shalt  }
0x7c: {  	_ =	shalt  }
0x7d: {  	_ =	shalt  }
0x7e: {  	_ =	shalt  }
0x7f: {  	_ =	shalt  }
0x80: {  	_ =	shalt  }
0x81: {  	_ =	shalt  }
0x82: {  	_ =	shalt  }
0x83: {  	_ =	shalt  }
0x84: {  	_ =	shalt  }
0x85: {  	_ =	shalt  }
0x86: {  	_ =	shalt  }
0x87: {  	_ =	shalt  }
.Lfunc_end0:
.L_simem_size_0:
called_computation_lowered:
.L_overlay_start_0:
0x88: {  	s2 =	sld [smem:$0x3FD9]  }
0x89: {  	s3 =	sld [smem:$0x3FFE];
	_ =	sdelay $0x1  }
0x8a: {  	s1 =	srdreg.scid  }
0x8b: {  	s0 =	sand.u32 $0x1, s1  }
0x8c: {  	s17 =	sshll.u32 s0, $0xA;
	s2 =	sadd.s32 s3, s2  }
0x8d: {  	s2 =	sadd.s32 s2, s17  }
0x8e: {  	[smem:$0x3FC2] =	sst s2  }
0x8f: {  	_ = 	snop  }
0x90: {  	s2 =	sld [smem:$0x3FD0];
	(tm) =	ssettm $0x1  }
0x91: {  	s18 =	sld [smem:$0x3FFB];
	_ =	sdelay $0x3  }
0x92: {  	_ =	strace s18  }
0x93: {  	s3 =	sld [smem:$0x3FFC];
	_ =	sdelay $0x3  }
0x94: {  	_ =	strace s3  }
0x95: {  	s3 =	sld [smem:$0x3FFD];
	_ =	sdelay $0x3  }
0x96: {  	_ =	strace s3  }
0x97: {  	_ =	strace $0x8FFFFFFF  }
0x98: {  	s19 =	sld [smem:$0x3FDB];
	_ =	sdelay $0x1  }
0x99: {  	s4 =	simm.s32 $_scs_section_size  }
0x9a: {  	s5 =	simm.s32 $_size__tile_overlayer_lowered;
	s6 =	simm.s32 $_tile_overlayer_lowered  }
0x9b: {  	s22 =	simm.s32 $0x1BFF;
	s21 =	sshll.u32 s6, $0x1;
	s3 =	sadd.s32 s4, s19  }
0x9c: {  	s7 =	simm.s32 $0x0;
	s20 =	sshll.u32 s5, $0x1;
	s5 =	sadd.s32 s21, s3  }
0x9d: {  	[timem:s7], [sflag:s22] =	dma.local [hbm:s5], s20  }
0x9e: {  	_ =	swait.ge [sflag:s22], s20  }
0x9f: {  	s4 =	ssub.s32 $0x0, s20;
	[sflag:s22] =	ssyncset.done $0x0  }
0xa0: {  	[sflag:s22] =	ssyncadd.s32 s4;
	_ =	sdelay $0x1  }
0xa1: {  	s23 =	simm.s32 $0x1B8B  }
0xa2: {  	_ =	swait.ge [sflag:s23], $0x1  }
0xa3: {  	[sflag:s23] =	ssyncset.done $0x0  }
0xa4: {  	s25 =	simm.s32 $0x1B8E;
	s24 =	sld [smem:$0x3FFE];
	[sflag:s23] =	ssyncadd.s32 $0xFFFFFFFF  }
0xa5: {  	s26 =	simm.s32 $execute0_lowered;
	[smem:$0x3FD2] =	sst s25  }
0xa6: {  	s5 =	sshll.u32 s26, $0x1;
	_ =	strace $0x80000046;
	[dreg:$0x1] =	wrdreg $0xFFFFFFFF  }
0xa7: {  	s28 =	simm.s32 $_size_execute0_lowered;
	s3 =	sadd.s32 s3, s5;
	[dreg:$0x0] =	wrdreg $0x0  }
0xa8: {  	s5 =	sshll.u32 s28, $0x1;
	[dreg:$0x2] =	wrdreg s3  }
0xa9: {  	[dreg:$0x3] =	wrdreg s5  }
0xaa: {  	[dreg:$0x4] =	wrdreg $0xC0  }
0xab: {  	_ =	task [dreg:s7], $0x5FFFF  }
0xac: {  	[dreg:$0x1] =	wrdreg $0xFFFFFFFF  }
0xad: {  	[dreg:$0x0] =	wrdreg $0x60  }
0xae: {  	[dreg:$0x2] =	wrdreg s2  }
0xaf: {  	[dreg:$0x3] =	wrdreg s24  }
0xb0: {  	[dreg:$0x4] =	wrdreg $0x9  }
0xb1: {  	_ =	task.clear_ibuf [dreg:s7], $0x5FFFF;
	_ =	strace $0x90000046  }
0xb2: {  	s29 =	simm.s32 $0x9;
	_ =	strace $0x80000048  }
0xb3: {  	_ =	swait.ge [sflag:s29], $0x1  }
0xb4: {  	[sflag:s29] =	ssyncadd.s32 $0xFFFFFFFF  }
0xb5: {  	_ =	strace $0x90000048  }
0xb6: {  	_ =	sfence  }
0xb7: {  	s30 =	sld [smem:$0x0];
	_ =	sdelay $0x2  }
0xb8: {  	s31 =	sshll.u32 s1, $0xD;
	s1 =	sshrl.u32 s1, $0x2  }
0xb9: {  	s3 =	sand.u32 $0x4000, s31;
	s1 =	sadd.s32 s1, s30  }
0xba: {  	s0 =	sor.u32 s3, s0;
	s1 =	sshll.u32 s1, $0x11  }
0xbb: {  	s0 =	sor.u32 s1, s0  }
0xbc: {  	s0 =	sadd.s32 $0x8F2B, s0  }
0xbd: {  	[sflag:s0] =	ssyncadd.remote.s32 $0x1  }
0xbe: {  	_ =	sfence.sel $0xFFFF  }
0xbf: {  	[dreg:$0x0] =	wrdreg $0xFFFFFFFF;
	(pc) =	sbr.abs _section_cstart, $3  }
0xc0: {  	[dreg:$0x1] =	wrdreg $0xFFFFFFFF  }
0xc1: {  	_ =	task.clear_ibuf [dreg:s7], $0x2FFFF;
	_ =	strace $0x9FFFFFFF  }
0xc2: {  	(tm) =	ssettm $0x7FFFFFFF  }
0xc3: {  	_ =	shalt  }
tec
execute0_lowered:
.L_overlay_start_1:
0x0: {  	(tag) =	ssettag $0x1  }
0x1: {  	s5 =	rddreg [dreg:$0x0]  }
0x2: {  	s1 =	srdreg.scid;
	s0 =	stileid.u32  }
0x3: {  	s6 =	rddreg [dreg:$0x1];
	s2 =	simm.s32 $0x0;
	s10 =	simm.s32 $0x17980  }
0x4: {  	s11 =	simm.s32 $0x16D00;
	s12 =	simm.s32 $0x18600;
	s13 =	simm.s32 $0x1  }
0x5: {  	s14 =	simm.s32 $0x3;
	s15 =	simm.s32 $0x13900;
	s16 =	simm.s32 $0x9C80  }
0x6: {  	s17 =	simm.s32 $0x2;
	s18 =	simm.s32 $0x4;
	s19 =	simm.s32 $0x0  }
0x7: {  	s3 =	sand.u32 $0x1, s1;
	s4 =	sshll.u32 s0, $0x1;
	s1 =	rddreg [dreg:$0x2]  }
0x8: {  	[smem:$0x7FF] =	sst s2;
	s4 =	sor.u32 s3, s4;
	s8 =	ssub.s32 $0x2, s3  }
0x9: {  	_ =	strace $0x80000047;
	s7 =	smul.u32 $0x1388, s4;
	s9 =	sshrl.u32 s8, $0x1  }
0xa: {  	s3 =	sadd.s32 $0xAA00, s6;
	s4 =	sadd.s32 $0xC00, s6;
	s8 =	ssub.s32 s8, s9  }
0xb: {  	s9 =	simm.s32 $0x16080;
	s6 =	sadd.s32 s7, s6;
	s5 =	sadd.s32 s5, s7  }
0xc: {  	v0 =	vimm.f32 $-Inf;
	v1 =	vlaneseq.u32;
	s7 =	smax.u32 s8, $0x1;
	s8 =	simm.s32 $0x5;
	s6 =	sadd.s32 $0x14800, s6  }
.LBB2_1:
0xd: {  	[tilespmem:s2], [sflag:$0x5] =	stream.linear.gather [hbm4b:s5+s2], $0x9C40, $0x38;
	[tilespmem:$0x19280] =	vst v63  }
0xe: {  	_ =	swait.ge [sflag:s8], $0x9C40  }
0xf: {  	[sflag:s8] =	ssyncset.done $0x0  }
0x10: {  	s20 =	simm.s32 $0x40;
	s21 =	simm.s32 $0x0;
	[sflag:s8] =	ssyncadd.s32 $0xFFFF63C0  }
.LBB2_2:
0x11: {  	p0 =	sne.s32 s20, $0x270C0;
	[tilespmem:s21+$0x9C80] =	vst v0;
	s21 =	smov.u32 s20;
	s20 =	sadd.s32 $0x40, s20  }
.Ltmp0:
0x12: {  	(pc) =	sbr.rel @p0 .LBB2_2-.Ltmp0, $2  }
0x13: {  	_ =	sdelay $0x2  }
0x14: {  	s21 =	sshra.s32 s21, $0x2  }
0x15: {  	[tilespmem:s21+$0x9C80] =	vst v0;
	s20 =	simm.s32 $0x0  }
0x16: {  	[tilespmem:s9], [sflag:$0x1] =	stream.linear.gather [hbm4b:s3+s20], $0xC80, $0x38;
	[tilespmem:$0x19280] =	vst v63  }
0x17: {  	s21 =	simm.s32 $0x0  }
0x18: {  	[tilespmem:s10], [sflag:$0x3] =	stream.linear.gather [hbm4b:s4+s20], $0xC80, $0x38;
	[tilespmem:$0x19280] =	vst v63  }
.LBB2_4:
0x19: {  	s22 =	smul.u32 $0x1900, s21;
	_ =	sdelay $0x1  }
0x1a: {  	s23 =	sshrl.u32 s22, $0x3  }
0x1b: {  	s23 =	sadd.s32 $0x190, s23  }
0x1c: {  	s24 =	sadd.s32 s3, s23  }
0x1d: {  	[tilespmem:s11], [sflag:$0x2] =	stream.linear.gather [hbm4b:s24+s20], $0xC80, $0x38;
	[tilespmem:$0x19280] =	vst v63  }
0x1e: {  	s23 =	sadd.s32 s4, s23  }
0x1f: {  	[tilespmem:s12], [sflag:$0x4] =	stream.linear.gather [hbm4b:s23+s20], $0xC80, $0x38;
	[tilespmem:$0x19280] =	vst v63  }
0x20: {  	_ =	swait.ge [sflag:s13], $0xC80  }
0x21: {  	[sflag:s13] =	ssyncset.done $0x0  }
0x22: {  	[sflag:s13] =	ssyncadd.s32 $0xFFFFF380  }
0x23: {  	_ =	swait.ge [sflag:s14], $0xC80  }
0x24: {  	[sflag:s14] =	ssyncset.done $0x0  }
0x25: {  	s23 =	simm.s32 $0x0;
	[sflag:s14] =	ssyncadd.s32 $0xFFFFF380  }
.LBB2_5:
0x26: {  	s24 =	sshll.u32 s23, $0x4  }
0x27: {  	v3 =	vld [tilespmem:s24+$0x16080];
	_ =	sdelay $0x4  }
0x28: {  	v4 =	vadd.s32 $0x2710, v3  }
0x29: {  	v5 =	vadd.s32 $0x4E20, v3  }
0x2a: {  	v2 =	vld [tilespmem:s24+$0x17980];
	v7 =	vadd.s32 $0x7530, v3;
	_ =	sdelay $0x1  }
0x2b: {  	v3 =	vld.idx.msk [tilespmem:v3+s2+$0x0], $0xffff  }
0x2c: {  	v4 =	vld.idx.msk [tilespmem:v4+s2+$0x0], $0xffff  }
0x2d: {  	v10 =	vimm.s32 $0x1;
	v5 =	vld.idx.msk [tilespmem:v5+s2+$0x0], $0xffff  }
0x2e: {  	v6 =	vadd.s32 $0x2710, v2;
	v8 =	vadd.s32 $0x4E20, v2;
	v9 =	vadd.s32 $0x7530, v2;
	v7 =	vld.idx.msk [tilespmem:v7+s2+$0x0], $0xffff  }
.LBB2_6:
0x2f: {  	vm0 =	vne.s32 v10, $0x0;
	_ =	sdelay $0x5  }
0x30: {  	[tilespmem:v2+s15+$0x0] =	vst.idx.msk vm0, v1  }
0x31: {  	v11 =	vld.idx.msk [tilespmem:v2+s15+$0x0], $0xffff;
	_ =	sdelay $0x4  }
0x32: {  	vm1 =	veq.s32 v11, v1  }
0x33: {  	v10 =	vsel vm1, $0x0, v10  }
0x34: {  	(xrf0) =	vadd.scan.msk.s32 $0xffff, v10  }
0x35: {  	v11 =	vld.idx.msk [tilespmem:v2+s16+$0x0], $0xffff;
	vm0 =	vmand vm0, vm1;
	_ =	sdelay $0x4  }
0x36: {  	v11 =	vmax.f32 v11, v3;
	v12, _, _ =	vpop (xrf0)  }
0x37: {  	[tilespmem:v2+s16+$0x0] =	vst.idx.msk vm0, v11;
	(v2sf) =	vpush v12, $0xF  }
0x38: {  	v11 =	vld.idx.msk [tilespmem:v6+s16+$0x0], $0xffff;
	_ =	sdelay $0x4  }
0x39: {  	v11 =	vmax.f32 v11, v4  }
0x3a: {  	[tilespmem:v6+s16+$0x0] =	vst.idx.msk vm0, v11  }
0x3b: {  	v11 =	vld.idx.msk [tilespmem:v8+s16+$0x0], $0xffff;
	_ =	sdelay $0x4  }
0x3c: {  	v11 =	vmax.f32 v11, v5  }
0x3d: {  	[tilespmem:v8+s16+$0x0] =	vst.idx.msk vm0, v11  }
0x3e: {  	v11 =	vld.idx.msk [tilespmem:v9+s16+$0x0], $0xffff;
	s24 =	spop (v2sf)  }
0x3f: {  	p0 =	sgt.s32 s24, $0x0  }
.Ltmp1:
0x40: {  	_ = 	snop;
	(pc) =	sbr.rel @p0 .LBB2_6-.Ltmp1, $3  }
0x41: {  	_ =	sdelay $0x1  }
0x42: {  	v11 =	vmax.f32 v11, v7  }
0x43: {  	[tilespmem:v9+s16+$0x0] =	vst.idx.msk vm0, v11  }
0x44: {  	s23 =	sadd.s32 $0x1, s23  }
0x45: {  	p0 =	sne.s32 s23, $0xC8  }
.Ltmp2:
0x46: {  	_ = 	snop;
	(pc) =	sbr.rel @p0 .LBB2_5-.Ltmp2, $1  }
0x47: {  	_ =	sdelay $0x3  }
0x48: {  	p0 =	seq.s32 s21, $0x31  }
0x49: {  	s22 =	sshrl.u32 @!p0 s22, $0x3  }
0x4a: {  	s22 =	sadd.s32 @!p0 $0x320, s22  }
0x4b: {  	s24 =	simm.s32 @!p0 $0x0;
	s25 =	simm.s32 @!p0 $0x16080;
	s23 =	sadd.s32 @!p0 s3, s22  }
0x4c: {  	[tilespmem:s25], [sflag:$0x1] =	stream.linear.gather @!p0 [hbm4b:s23+s24], $0xC80, $0x38;
	[tilespmem:$0x19280] =	vst v63  }
0x4d: {  	s22 =	sadd.s32 @!p0 s4, s22;
	s23 =	simm.s32 @!p0 $0x17980  }
0x4e: {  	[tilespmem:s23], [sflag:$0x3] =	stream.linear.gather @!p0 [hbm4b:s22+s24], $0xC80, $0x38;
	[tilespmem:$0x19280] =	vst v63  }
0x4f: {  	_ =	swait.ge [sflag:s17], $0xC80  }
0x50: {  	[sflag:s17] =	ssyncset.done $0x0  }
0x51: {  	[sflag:s17] =	ssyncadd.s32 $0xFFFFF380  }
0x52: {  	_ =	swait.ge [sflag:s18], $0xC80  }
0x53: {  	[sflag:s18] =	ssyncset.done $0x0  }
0x54: {  	s22 =	simm.s32 $0x0;
	[sflag:s18] =	ssyncadd.s32 $0xFFFFF380  }
.LBB2_9:
0x55: {  	s23 =	sshll.u32 s22, $0x4  }
0x56: {  	v3 =	vld [tilespmem:s23+$0x16D00];
	_ =	sdelay $0x4  }
0x57: {  	v4 =	vadd.s32 $0x2710, v3  }
0x58: {  	v5 =	vadd.s32 $0x4E20, v3  }
0x59: {  	v2 =	vld [tilespmem:s23+$0x18600];
	v7 =	vadd.s32 $0x7530, v3;
	_ =	sdelay $0x1  }
0x5a: {  	v3 =	vld.idx.msk [tilespmem:v3+s2+$0x0], $0xffff  }
0x5b: {  	v4 =	vld.idx.msk [tilespmem:v4+s2+$0x0], $0xffff  }
0x5c: {  	v10 =	vimm.s32 $0x1;
	v5 =	vld.idx.msk [tilespmem:v5+s2+$0x0], $0xffff  }
0x5d: {  	v6 =	vadd.s32 $0x2710, v2;
	v8 =	vadd.s32 $0x4E20, v2;
	v9 =	vadd.s32 $0x7530, v2;
	v7 =	vld.idx.msk [tilespmem:v7+s2+$0x0], $0xffff  }
.LBB2_10:
0x5e: {  	vm0 =	vne.s32 v10, $0x0;
	_ =	sdelay $0x5  }
0x5f: {  	[tilespmem:v2+s15+$0x0] =	vst.idx.msk vm0, v1  }
0x60: {  	v11 =	vld.idx.msk [tilespmem:v2+s15+$0x0], $0xffff;
	_ =	sdelay $0x4  }
0x61: {  	vm1 =	veq.s32 v11, v1  }
0x62: {  	v10 =	vsel vm1, $0x0, v10  }
0x63: {  	(xrf0) =	vadd.scan.msk.s32 $0xffff, v10  }
0x64: {  	v11 =	vld.idx.msk [tilespmem:v2+s16+$0x0], $0xffff;
	vm0 =	vmand vm0, vm1;
	_ =	sdelay $0x4  }
0x65: {  	v11 =	vmax.f32 v11, v3;
	v12, _, _ =	vpop (xrf0)  }
0x66: {  	[tilespmem:v2+s16+$0x0] =	vst.idx.msk vm0, v11;
	(v2sf) =	vpush v12, $0xF  }
0x67: {  	v11 =	vld.idx.msk [tilespmem:v6+s16+$0x0], $0xffff;
	_ =	sdelay $0x4  }
0x68: {  	v11 =	vmax.f32 v11, v4  }
0x69: {  	[tilespmem:v6+s16+$0x0] =	vst.idx.msk vm0, v11  }
0x6a: {  	v11 =	vld.idx.msk [tilespmem:v8+s16+$0x0], $0xffff;
	_ =	sdelay $0x4  }
0x6b: {  	v11 =	vmax.f32 v11, v5  }
0x6c: {  	[tilespmem:v8+s16+$0x0] =	vst.idx.msk vm0, v11  }
0x6d: {  	v11 =	vld.idx.msk [tilespmem:v9+s16+$0x0], $0xffff;
	s23 =	spop (v2sf)  }
0x6e: {  	p0 =	sgt.s32 s23, $0x0  }
.Ltmp3:
0x6f: {  	_ = 	snop;
	(pc) =	sbr.rel @p0 .LBB2_10-.Ltmp3, $3  }
0x70: {  	_ =	sdelay $0x1  }
0x71: {  	v11 =	vmax.f32 v11, v7  }
0x72: {  	[tilespmem:v9+s16+$0x0] =	vst.idx.msk vm0, v11  }
0x73: {  	s22 =	sadd.s32 $0x1, s22  }
0x74: {  	p0 =	sne.s32 s22, $0xC8  }
.Ltmp4:
0x75: {  	_ = 	snop;
	(pc) =	sbr.rel @p0 .LBB2_9-.Ltmp4, $1  }
0x76: {  	_ =	sdelay $0x3  }
0x77: {  	s21 =	sadd.s32 $0x1, s21  }
0x78: {  	p0 =	sne.s32 s21, $0x32  }
.Ltmp5:
0x79: {  	_ = 	snop;
	(pc) =	sbr.rel @p0 .LBB2_4-.Ltmp5, $1  }
0x7a: {  	_ =	sdelay $0x3  }
0x7b: {  	s19 =	sadd.s32 $0x1, s19  }
0x7c: {  	p0 =	sne.s32 s19, s7  }
.Ltmp6:
0x7d: {  	_ = 	snop;
	(pc) =	sbr.rel @p0 .LBB2_1-.Ltmp6, $4  }
0x7e: {  	[hbm4b:s6+s2] =	stream.linear.scatter [tilespmem:s16], [sflag:$0x5], $0x9C40, $0x38;
	[tilespmem:$0x19280] =	vst v63  }
0x7f: {  	_ =	swait.ge [sflag:s8], $0x9C40  }
0x80: {  	[sflag:s8] =	ssyncset.done $0x0  }
0x81: {  	[sflag:s8] =	ssyncadd.s32 $0xFFFF63C0  }
0x82: {  	_ =	sfence.sel $0x180000  }
0x83: {  	[bflag:$0x0] =	sbarrier.arrive $0xFFFF  }
0x84: {  	p0 =	sne.s32 s0, $0x0;
	_ =	strace $0x90000047  }
0x85: {  	s0 =	sadd.s32 @!p0 $0x100000, s1;
	[bflag:$0x2] =	sbarrier.arrive $0xFFFF  }
0x86: {  	[sflag:s0] =	ssyncadd.tile.s32 @!p0 $0x1;
	_ =	shalt  }
.Lfunc_end2:
_tile_overlayer_lowered:
.L_overlay_start_2:
0x87: {  	(tag) =	ssettag $0x2  }
0x88: {  	s0 =	rddreg [dreg:$0x0];
	s2 =	stileid.u32  }
0x89: {  	s1 =	rddreg [dreg:$0x1];
	p0 =	sne.s32 s2, $0x0  }
0x8a: {  	s3 =	rddreg [dreg:$0x2];
	[bflag:$0x3] =	sbarrier.arrive $0xFFFF;
	s2 =	simm.s32 @!p0 $0x1C05  }
0x8b: {  	[timem:s3], [sflag:s2] =	dma.local @!p0 [hbm:s0], s1  }
0x8c: {  	s0 =	simm.s32 @!p0 $0x5  }
0x8d: {  	_ =	swait.ge @!p0 [sflag:s0], s1  }
0x8e: {  	s1 =	ssub.s32 @!p0 $0x0, s1;
	[sflag:s0] =	ssyncset.done @!p0 $0x0  }
0x8f: {  	[sflag:s0] =	ssyncadd.s32 @!p0 s1  }
0x90: {  	[bflag:$0x3] =	sbarrier.arrive $0xFFFF  }
0x91: {  	_ =	shalt  }

</sc_bundles>
